<compile_context>
chip_gen: v7x
topology: tpu7x:2x2x1
jax: 0.10.2.dev20260603
libtpu: 0.0.44.dev20260713+nightly
codegen_flags: <defaults>
</compile_context>

<pallas_src>
import functools

import jax
import jax.numpy as jnp
from jax import lax
from jax.experimental import pallas as pl
from jax.experimental.pallas import tpu as pltpu
from jax.experimental.pallas import tpu_sc as plsc

N = 10000
F = 128
E = 320000
NC = 2
NS = 16
NW = NC * NS
K = 128
NP = 10240
RPW = NP // NW
NB = 80
EP = NW * NB * K
JUNK = NP - 1
BN_S = 1.0 / (1.0 + 1e-5) ** 0.5

_mesh = plsc.VectorSubcoreMesh(core_axis_name="c", subcore_axis_name="s")


DG = 16


def _deg_sc(dst_r, zrows, ones):
    @functools.partial(
        pl.kernel,
        out_type=jax.ShapeDtypeStruct((NC, NP, DG), jnp.float32),
        mesh=_mesh,
        scratch_types=[
            pltpu.VMEM_SHARED((NP, DG), jnp.float32),
            pltpu.VMEM((K,), jnp.int32),
            pltpu.VMEM((K, DG), jnp.float32),
        ],
    )
    def run(dst_hbm, z_hbm, ones_hbm, out_hbm, acc_sp, idx_v, ones_v):
        c = lax.axis_index("c")
        s = lax.axis_index("s")
        pltpu.sync_copy(z_hbm, acc_sp.at[pl.ds(s * RPW, RPW)])
        pltpu.sync_copy(ones_hbm, ones_v)
        plsc.subcore_barrier()

        @pl.loop(0, NB)
        def _(j):
            pltpu.sync_copy(dst_hbm.at[c, s, j], idx_v)
            pltpu.sync_copy(ones_v, acc_sp.at[idx_v], add=True)

        plsc.subcore_barrier()
        pltpu.sync_copy(acc_sp.at[pl.ds(s * RPW, RPW)],
                        out_hbm.at[c, pl.ds(s * RPW, RPW)])

    return run(dst_r, zrows, ones)


def _agg_sc(xws, ei_r, zrows):
    @functools.partial(
        pl.kernel,
        out_type=jax.ShapeDtypeStruct((NC, NP, F), jnp.float32),
        mesh=_mesh,
        scratch_types=[
            pltpu.VMEM_SHARED((NP, F), jnp.float32),
            pltpu.VMEM((2, K), jnp.int32),
            pltpu.VMEM((K, F), jnp.float32),
        ],
    )
    def run(xws_hbm, ei_hbm, z_hbm, out_hbm, acc_sp, idx_v, rows_v):
        c = lax.axis_index("c")
        s = lax.axis_index("s")
        pltpu.sync_copy(z_hbm, acc_sp.at[pl.ds(s * RPW, RPW)])
        plsc.subcore_barrier()

        @pl.loop(0, NB)
        def _(j):
            pltpu.sync_copy(ei_hbm.at[c, s, j], idx_v)
            pltpu.sync_copy(xws_hbm.at[idx_v.at[0]], rows_v)
            pltpu.sync_copy(rows_v, acc_sp.at[idx_v.at[1]], add=True)

        plsc.subcore_barrier()
        pltpu.sync_copy(acc_sp.at[pl.ds(s * RPW, RPW)],
                        out_hbm.at[c, pl.ds(s * RPW, RPW)])

    return run(xws, ei_r, zrows)


BM = 1280


def _xws_tc_body(x_ref, w_ref, deg_ref, o_ref):
    xw = lax.dot_general(x_ref[...], w_ref[...], (((1,), (0,)), ((), ())),
                         precision=lax.Precision.HIGHEST,
                         preferred_element_type=jnp.float32)
    deg = deg_ref[0][:, 0:1] + deg_ref[1][:, 0:1] + 1.0
    o_ref[...] = xw * lax.rsqrt(deg)


def _xws_tc(xp, W, deg2):
    return pl.pallas_call(
        _xws_tc_body,
        grid=(NP // BM,),
        in_specs=[
            pl.BlockSpec((BM, F), lambda i: (i, 0)),
            pl.BlockSpec((F, F), lambda i: (0, 0)),
            pl.BlockSpec((NC, BM, DG), lambda i: (0, i, 0)),
        ],
        out_specs=pl.BlockSpec((BM, F), lambda i: (i, 0)),
        out_shape=jax.ShapeDtypeStruct((NP, F), jnp.float32),
    )(xp, W, deg2)


def _fin_tc_body(agg_ref, xws_ref, deg_ref, b_ref, g_ref, bt_ref, o_ref):
    deg = deg_ref[0][:, 0:1] + deg_ref[1][:, 0:1] + 1.0
    dinv = lax.rsqrt(deg)
    tot = (agg_ref[0] + agg_ref[1] + xws_ref[...]) * dinv
    y = (tot + b_ref[...]) * BN_S * g_ref[...] + bt_ref[...]
    o_ref[...] = jnp.maximum(y, 0.0)


def _fin_tc(agg, xws, deg2, b, gamma, beta):
    vec = pl.BlockSpec((1, F), lambda i: (0, 0))
    return pl.pallas_call(
        _fin_tc_body,
        grid=(NP // BM,),
        in_specs=[
            pl.BlockSpec((NC, BM, F), lambda i: (0, i, 0)),
            pl.BlockSpec((BM, F), lambda i: (i, 0)),
            pl.BlockSpec((NC, BM, DG), lambda i: (0, i, 0)),
            vec, vec, vec,
        ],
        out_specs=pl.BlockSpec((BM, F), lambda i: (i, 0)),
        out_shape=jax.ShapeDtypeStruct((NP, F), jnp.float32),
    )(agg, xws, deg2, b.reshape(1, F), gamma.reshape(1, F), beta.reshape(1, F))


def kernel(x, edge_index, W, b, gamma, beta):
    ei = edge_index.astype(jnp.int32)
    pad = jnp.full((EP - E,), JUNK, dtype=jnp.int32)
    src_r = jnp.concatenate([ei[0], pad]).reshape(NC, NS, NB, K)
    dst_r = jnp.concatenate([ei[1], pad]).reshape(NC, NS, NB, K)
    ei_r = jnp.stack([src_r, dst_r], axis=3)
    xp = jnp.pad(x, ((0, NP - N), (0, 0)))

    zdeg = jnp.zeros((RPW, DG), jnp.float32)
    ones = jnp.ones((K, DG), jnp.float32)
    zrows = jnp.zeros((RPW, F), jnp.float32)

    deg2 = _deg_sc(dst_r, zdeg, ones)
    xws = _xws_tc(xp, W, deg2)
    agg = _agg_sc(xws, ei_r, zrows)
    out = _fin_tc(agg, xws, deg2, b, gamma, beta)
    return out[:N]

# --- scband reference (transcript-rebuilt; emitter-appended) ---
"""Pipeline reference for scband-gnnblock-48249662603742 (READ-ONLY COPY).

The authoritative reference and input builder live on the scoring server;
editing this copy changes nothing except your own understanding.
"""

import jax, jax.numpy as jnp
import numpy as np

N_NODES = 10000
N_EDGES = 320000
IN_CH = 128
OUT_CH = 128
BN_EPS = 1e-5


def setup_inputs(seed: int = 0) -> dict:
    key = jax.random.key(seed)
    k1, k2, k3, k4, k5, k6 = jax.random.split(key, 6)
    x = jax.random.normal(k1, (N_NODES, IN_CH), dtype=jnp.float32)
    edge_index = jax.random.randint(k2, (2, N_EDGES), 0, N_NODES, dtype=jnp.int64)
    W = jax.random.normal(k3, (IN_CH, OUT_CH), dtype=jnp.float32) * (1.0 / np.sqrt(IN_CH))
    b = jax.random.normal(k4, (OUT_CH,), dtype=jnp.float32) * 0.01
    gamma = jax.random.normal(k5, (OUT_CH,), dtype=jnp.float32) * 0.1 + 1.0
    beta = jax.random.normal(k6, (OUT_CH,), dtype=jnp.float32) * 0.1
    return {"x": x, "edge_index": edge_index, "W": W, "b": b, "gamma": gamma, "beta": beta}


def _gcn_block(x, edge_index, W, b, gamma, beta):
    N = x.shape[0]
    # --- GCNConv: symmetric-normalized aggregation with self loops ---
    loop = jnp.arange(N, dtype=edge_index.dtype)
    src = jnp.concatenate([edge_index[0], loop])
    dst = jnp.concatenate([edge_index[1], loop])
    xw = x @ W  # linear transform first (standard GCN)
    deg = jnp.zeros((N,), dtype=jnp.float32).at[dst].add(1.0)
    dinv = jnp.where(deg > 0, 1.0 / jnp.sqrt(deg), 0.0)
    norm = dinv[src] * dinv[dst]  # [E+N]
    msg = xw[src] * norm[:, None]  # gather (memory-bound)
    out = jnp.zeros((N, xw.shape[1]), dtype=jnp.float32).at[dst].add(msg)  # scatter-add
    out = out + b
    # --- BatchNorm1d (eval mode: running_mean=0, running_var=1) ---
    out = (out - 0.0) / jnp.sqrt(1.0 + BN_EPS) * gamma + beta
    # --- relu ---
    out = jax.nn.relu(out)
    # --- dropout: identity in eval mode ---
    return out


def reference(x, edge_index, W, b, gamma, beta):
    return _gcn_block(x, edge_index, W, b, gamma, beta)

if __name__ == "__main__":
    import jax
    _d = setup_inputs()
    print(jax.jit(kernel)(*tuple(_d.values())))

</pallas_src>

<mosaic_0001>
#map = affine_map<(d0, d1) -> (0, 0, 0, 0)>
#map1 = affine_map<(d0, d1) -> (0, 0)>
#map2 = affine_map<(d0, d1) -> (0, 0, 0)>
module attributes {stable_mosaic.version = 14 : i64} {
  func.func @run(%arg0: i32, %arg1: i32, %arg2: memref<2x16x80x128xi32, #tpu.memory_space<hbm>>, %arg3: memref<320x16xf32, #tpu.memory_space<hbm>>, %arg4: memref<128x16xf32, #tpu.memory_space<hbm>>, %arg5: memref<2x10240x16xf32, #tpu.memory_space<hbm>>, %arg6: memref<10240x16xf32, #tpu.memory_space<vmem_shared>>, %arg7: memref<128xi32, #tpu.memory_space<vmem>>, %arg8: memref<128x16xf32, #tpu.memory_space<vmem>>) attributes {dimension_semantics = [#tpu.dimension_semantics<core_parallel>, #tpu.dimension_semantics<subcore_parallel>], iteration_bounds = array<i64: 2, 16>, scalar_prefetch = 0 : i64, scratch_operands = 3 : i64, tpu.core_type = #tpu.core_type<sc_vector_subcore>, window_params = [{transform_indices = #map}, {transform_indices = #map1}, {transform_indices = #map1}, {transform_indices = #map2}]} {
    %mul3A = arith.constant 320 : i32
    %mul3A_0 = arith.muli %arg1, %mul3A : i32
    "tpu.region"() ({
      %run_scoped3A = tpu.sem_alloc : memref<!tpu.dma_semaphore, #tpu.memory_space<semaphore_mem>>
      %dma_start3A = arith.constant 0 : i32
      %dma_start3A_10 = tpu.memref_slice %arg6[%mul3A_0, %dma_start3A] : memref<10240x16xf32, #tpu.memory_space<vmem_shared>> -> memref<320x16xf32, #tpu.memory_space<vmem_shared>>
      tpu.enqueue_dma source(%arg3 : memref<320x16xf32, #tpu.memory_space<hbm>>) target(%dma_start3A_10 : memref<320x16xf32, #tpu.memory_space<vmem_shared>>) target_semaphore(%run_scoped3A : memref<!tpu.dma_semaphore, #tpu.memory_space<semaphore_mem>>)
      %dma_wait3A = arith.constant 0 : i32
      %dma_wait3A_11 = tpu.memref_slice %arg6[%mul3A_0, %dma_wait3A] : memref<10240x16xf32, #tpu.memory_space<vmem_shared>> -> memref<320x16xf32, #tpu.memory_space<vmem_shared>>
      tpu.wait_dma2 semaphore(%run_scoped3A : memref<!tpu.dma_semaphore, #tpu.memory_space<semaphore_mem>>) src(%arg3 : memref<320x16xf32, #tpu.memory_space<hbm>>) dst(%dma_wait3A_11 : memref<320x16xf32, #tpu.memory_space<vmem_shared>>)
      tpu.yield
    }) : () -> ()
    "tpu.region"() ({
      %run_scoped3A = tpu.sem_alloc : memref<!tpu.dma_semaphore, #tpu.memory_space<semaphore_mem>>
      tpu.enqueue_dma source(%arg4 : memref<128x16xf32, #tpu.memory_space<hbm>>) target(%arg8 : memref<128x16xf32, #tpu.memory_space<vmem>>) target_semaphore(%run_scoped3A : memref<!tpu.dma_semaphore, #tpu.memory_space<semaphore_mem>>)
      tpu.wait_dma2 semaphore(%run_scoped3A : memref<!tpu.dma_semaphore, #tpu.memory_space<semaphore_mem>>) src(%arg4 : memref<128x16xf32, #tpu.memory_space<hbm>>) dst(%arg8 : memref<128x16xf32, #tpu.memory_space<vmem>>)
      tpu.yield
    }) : () -> ()
    %barrier3A = arith.constant 0 : index
    tpu.barrier barrier_id(%barrier3A)
    %scan3A = arith.constant 0 : i32
    %scan3A_1 = arith.constant 80 : i32
    %scan3A_2 = arith.addi %scan3A, %scan3A_1 : i32
    %scan3A_3 = arith.constant 1 : i32
    scf.for %scan3A_10 = %scan3A to %scan3A_2 step %scan3A_3  : i32 {
      %mul3A_11 = arith.constant 1 : i32
      %mul3A_12 = arith.muli %scan3A_10, %mul3A_11 : i32
      %add3A = arith.constant 0 : i32
      %add3A_13 = arith.addi %add3A, %mul3A_12 : i32
      "tpu.region"() ({
        %run_scoped3A = tpu.sem_alloc : memref<!tpu.dma_semaphore, #tpu.memory_space<semaphore_mem>>
        %dma_start3A = arith.constant 0 : i32
        %dma_start3A_14 = tpu.memref_slice %arg2[%arg0, %arg1, %add3A_13, %dma_start3A] : memref<2x16x80x128xi32, #tpu.memory_space<hbm>> -> memref<1x1x1x128xi32, #tpu.memory_space<hbm>>
        %dma_start3A_15 = tpu.memref_squeeze %dma_start3A_14 : memref<1x1x1x128xi32, #tpu.memory_space<hbm>> -> memref<128xi32, #tpu.memory_space<hbm>>
        %dma_start3A_16 = arith.constant 0 : i32
        %dma_start3A_17 = tpu.memref_slice %arg2[%arg0, %arg1, %add3A_13, %dma_start3A_16] : memref<2x16x80x128xi32, #tpu.memory_space<hbm>> -> memref<1x1x1x128xi32, #tpu.memory_space<hbm>>
        %dma_start3A_18 = tpu.memref_squeeze %dma_start3A_17 : memref<1x1x1x128xi32, #tpu.memory_space<hbm>> -> memref<128xi32, #tpu.memory_space<hbm>>
        tpu.enqueue_dma source(%dma_start3A_18 : memref<128xi32, #tpu.memory_space<hbm>>) target(%arg7 : memref<128xi32, #tpu.memory_space<vmem>>) target_semaphore(%run_scoped3A : memref<!tpu.dma_semaphore, #tpu.memory_space<semaphore_mem>>)
        %dma_wait3A = arith.constant 0 : i32
        %dma_wait3A_19 = tpu.memref_slice %arg2[%arg0, %arg1, %add3A_13, %dma_wait3A] : memref<2x16x80x128xi32, #tpu.memory_space<hbm>> -> memref<1x1x1x128xi32, #tpu.memory_space<hbm>>
        %dma_wait3A_20 = tpu.memref_squeeze %dma_wait3A_19 : memref<1x1x1x128xi32, #tpu.memory_space<hbm>> -> memref<128xi32, #tpu.memory_space<hbm>>
        %dma_wait3A_21 = arith.constant 0 : i32
        %dma_wait3A_22 = tpu.memref_slice %arg2[%arg0, %arg1, %add3A_13, %dma_wait3A_21] : memref<2x16x80x128xi32, #tpu.memory_space<hbm>> -> memref<1x1x1x128xi32, #tpu.memory_space<hbm>>
        %dma_wait3A_23 = tpu.memref_squeeze %dma_wait3A_22 : memref<1x1x1x128xi32, #tpu.memory_space<hbm>> -> memref<128xi32, #tpu.memory_space<hbm>>
        tpu.wait_dma2 semaphore(%run_scoped3A : memref<!tpu.dma_semaphore, #tpu.memory_space<semaphore_mem>>) src(%dma_wait3A_23 : memref<128xi32, #tpu.memory_space<hbm>>) dst(%arg7 : memref<128xi32, #tpu.memory_space<vmem>>)
        tpu.yield
      }) : () -> ()
      "tpu.region"() ({
        %run_scoped3A = tpu.sem_alloc : memref<!tpu.dma_semaphore, #tpu.memory_space<semaphore_mem>>
        %dma_start3A = arith.constant 0 : i32
        %dma_start3A_14 = arith.constant 0 : i32
        %dma_start3A_15 = tpu.memref_slice %arg6[%dma_start3A, %dma_start3A_14] : memref<10240x16xf32, #tpu.memory_space<vmem_shared>> -> memref<10240x16xf32, #tpu.memory_space<vmem_shared>>
        tpu.enqueue_indirect_dma source(%arg8 : memref<128x16xf32, #tpu.memory_space<vmem>>) target(%dma_start3A_15 : memref<10240x16xf32, #tpu.memory_space<vmem_shared>>) offsets(%arg7 : memref<128xi32, #tpu.memory_space<vmem>>) semaphore(%run_scoped3A : memref<!tpu.dma_semaphore, #tpu.memory_space<semaphore_mem>>) {add = true}
        %dma_wait3A = arith.constant 0 : i32
        %dma_wait3A_16 = arith.constant 0 : i32
        %dma_wait3A_17 = tpu.memref_slice %arg6[%dma_wait3A, %dma_wait3A_16] : memref<10240x16xf32, #tpu.memory_space<vmem_shared>> -> memref<10240x16xf32, #tpu.memory_space<vmem_shared>>
        tpu.wait_indirect_dma semaphore(%run_scoped3A : memref<!tpu.dma_semaphore, #tpu.memory_space<semaphore_mem>>) src(%arg8 : memref<128x16xf32, #tpu.memory_space<vmem>>) dst(%dma_wait3A_17 : memref<10240x16xf32, #tpu.memory_space<vmem_shared>>)
        tpu.yield
      }) : () -> ()
    }
    %scan3A_4 = arith.constant 80 : i32
    %barrier3A_5 = arith.constant 0 : index
    tpu.barrier barrier_id(%barrier3A_5)
    %mul3A_6 = arith.constant 320 : i32
    %mul3A_7 = arith.muli %arg1, %mul3A_6 : i32
    %mul3A_8 = arith.constant 320 : i32
    %mul3A_9 = arith.muli %arg1, %mul3A_8 : i32
    "tpu.region"() ({
      %run_scoped3A = tpu.sem_alloc : memref<!tpu.dma_semaphore, #tpu.memory_space<semaphore_mem>>
      %dma_start3A = arith.constant 0 : i32
      %dma_start3A_10 = tpu.memref_slice %arg5[%arg0, %mul3A_9, %dma_start3A] : memref<2x10240x16xf32, #tpu.memory_space<hbm>> -> memref<1x320x16xf32, #tpu.memory_space<hbm>>
      %dma_start3A_11 = tpu.memref_squeeze %dma_start3A_10 : memref<1x320x16xf32, #tpu.memory_space<hbm>> -> memref<320x16xf32, #tpu.memory_space<hbm>>
      %dma_start3A_12 = arith.constant 0 : i32
      %dma_start3A_13 = tpu.memref_slice %arg6[%mul3A_7, %dma_start3A_12] : memref<10240x16xf32, #tpu.memory_space<vmem_shared>> -> memref<320x16xf32, #tpu.memory_space<vmem_shared>>
      tpu.enqueue_dma source(%dma_start3A_13 : memref<320x16xf32, #tpu.memory_space<vmem_shared>>) target(%dma_start3A_11 : memref<320x16xf32, #tpu.memory_space<hbm>>) target_semaphore(%run_scoped3A : memref<!tpu.dma_semaphore, #tpu.memory_space<semaphore_mem>>)
      %dma_wait3A = arith.constant 0 : i32
      %dma_wait3A_14 = tpu.memref_slice %arg5[%arg0, %mul3A_9, %dma_wait3A] : memref<2x10240x16xf32, #tpu.memory_space<hbm>> -> memref<1x320x16xf32, #tpu.memory_space<hbm>>
      %dma_wait3A_15 = tpu.memref_squeeze %dma_wait3A_14 : memref<1x320x16xf32, #tpu.memory_space<hbm>> -> memref<320x16xf32, #tpu.memory_space<hbm>>
      %dma_wait3A_16 = arith.constant 0 : i32
      %dma_wait3A_17 = tpu.memref_slice %arg6[%mul3A_7, %dma_wait3A_16] : memref<10240x16xf32, #tpu.memory_space<vmem_shared>> -> memref<320x16xf32, #tpu.memory_space<vmem_shared>>
      tpu.wait_dma2 semaphore(%run_scoped3A : memref<!tpu.dma_semaphore, #tpu.memory_space<semaphore_mem>>) src(%dma_wait3A_17 : memref<320x16xf32, #tpu.memory_space<vmem_shared>>) dst(%dma_wait3A_15 : memref<320x16xf32, #tpu.memory_space<hbm>>)
      tpu.yield
    }) : () -> ()
    return
  }
}

#map = affine_map<(d0, d1) -> (0, 0)>
#map1 = affine_map<(d0, d1) -> (0, 0, 0, 0, 0)>
#map2 = affine_map<(d0, d1) -> (0, 0, 0)>
module attributes {stable_mosaic.version = 14 : i64} {
  func.func @run(%arg0: i32, %arg1: i32, %arg2: memref<10240x128xf32, #tpu.memory_space<hbm>>, %arg3: memref<2x16x80x2x128xi32, #tpu.memory_space<hbm>>, %arg4: memref<320x128xf32, #tpu.memory_space<hbm>>, %arg5: memref<2x10240x128xf32, #tpu.memory_space<hbm>>, %arg6: memref<10240x128xf32, #tpu.memory_space<vmem_shared>>, %arg7: memref<2x128xi32, #tpu.memory_space<vmem>>, %arg8: memref<128x128xf32, #tpu.memory_space<vmem>>) attributes {dimension_semantics = [#tpu.dimension_semantics<core_parallel>, #tpu.dimension_semantics<subcore_parallel>], iteration_bounds = array<i64: 2, 16>, scalar_prefetch = 0 : i64, scratch_operands = 3 : i64, tpu.core_type = #tpu.core_type<sc_vector_subcore>, window_params = [{transform_indices = #map}, {transform_indices = #map1}, {transform_indices = #map}, {transform_indices = #map2}]} {
    %mul3A = arith.constant 320 : i32
    %mul3A_0 = arith.muli %arg1, %mul3A : i32
    "tpu.region"() ({
      %run_scoped3A = tpu.sem_alloc : memref<!tpu.dma_semaphore, #tpu.memory_space<semaphore_mem>>
      %dma_start3A = arith.constant 0 : i32
      %dma_start3A_10 = tpu.memref_slice %arg6[%mul3A_0, %dma_start3A] : memref<10240x128xf32, #tpu.memory_space<vmem_shared>> -> memref<320x128xf32, #tpu.memory_space<vmem_shared>>
      tpu.enqueue_dma source(%arg4 : memref<320x128xf32, #tpu.memory_space<hbm>>) target(%dma_start3A_10 : memref<320x128xf32, #tpu.memory_space<vmem_shared>>) target_semaphore(%run_scoped3A : memref<!tpu.dma_semaphore, #tpu.memory_space<semaphore_mem>>)
      %dma_wait3A = arith.constant 0 : i32
      %dma_wait3A_11 = tpu.memref_slice %arg6[%mul3A_0, %dma_wait3A] : memref<10240x128xf32, #tpu.memory_space<vmem_shared>> -> memref<320x128xf32, #tpu.memory_space<vmem_shared>>
      tpu.wait_dma2 semaphore(%run_scoped3A : memref<!tpu.dma_semaphore, #tpu.memory_space<semaphore_mem>>) src(%arg4 : memref<320x128xf32, #tpu.memory_space<hbm>>) dst(%dma_wait3A_11 : memref<320x128xf32, #tpu.memory_space<vmem_shared>>)
      tpu.yield
    }) : () -> ()
    %barrier3A = arith.constant 0 : index
    tpu.barrier barrier_id(%barrier3A)
    %scan3A = arith.constant 0 : i32
    %scan3A_1 = arith.constant 80 : i32
    %scan3A_2 = arith.addi %scan3A, %scan3A_1 : i32
    %scan3A_3 = arith.constant 1 : i32
    scf.for %scan3A_10 = %scan3A to %scan3A_2 step %scan3A_3  : i32 {
      %mul3A_11 = arith.constant 1 : i32
      %mul3A_12 = arith.muli %scan3A_10, %mul3A_11 : i32
      %add3A = arith.constant 0 : i32
      %add3A_13 = arith.addi %add3A, %mul3A_12 : i32
      "tpu.region"() ({
        %run_scoped3A_15 = tpu.sem_alloc : memref<!tpu.dma_semaphore, #tpu.memory_space<semaphore_mem>>
        %dma_start3A = arith.constant 0 : i32
        %dma_start3A_16 = arith.constant 0 : i32
        %dma_start3A_17 = tpu.memref_slice %arg3[%arg0, %arg1, %add3A_13, %dma_start3A, %dma_start3A_16] : memref<2x16x80x2x128xi32, #tpu.memory_space<hbm>> -> memref<1x1x1x2x128xi32, #tpu.memory_space<hbm>>
        %dma_start3A_18 = tpu.memref_squeeze %dma_start3A_17 : memref<1x1x1x2x128xi32, #tpu.memory_space<hbm>> -> memref<2x128xi32, #tpu.memory_space<hbm>>
        %dma_start3A_19 = arith.constant 0 : i32
        %dma_start3A_20 = arith.constant 0 : i32
        %dma_start3A_21 = tpu.memref_slice %arg3[%arg0, %arg1, %add3A_13, %dma_start3A_19, %dma_start3A_20] : memref<2x16x80x2x128xi32, #tpu.memory_space<hbm>> -> memref<1x1x1x2x128xi32, #tpu.memory_space<hbm>>
        %dma_start3A_22 = tpu.memref_squeeze %dma_start3A_21 : memref<1x1x1x2x128xi32, #tpu.memory_space<hbm>> -> memref<2x128xi32, #tpu.memory_space<hbm>>
        tpu.enqueue_dma source(%dma_start3A_22 : memref<2x128xi32, #tpu.memory_space<hbm>>) target(%arg7 : memref<2x128xi32, #tpu.memory_space<vmem>>) target_semaphore(%run_scoped3A_15 : memref<!tpu.dma_semaphore, #tpu.memory_space<semaphore_mem>>)
        %dma_wait3A = arith.constant 0 : i32
        %dma_wait3A_23 = arith.constant 0 : i32
        %dma_wait3A_24 = tpu.memref_slice %arg3[%arg0, %arg1, %add3A_13, %dma_wait3A, %dma_wait3A_23] : memref<2x16x80x2x128xi32, #tpu.memory_space<hbm>> -> memref<1x1x1x2x128xi32, #tpu.memory_space<hbm>>
        %dma_wait3A_25 = tpu.memref_squeeze %dma_wait3A_24 : memref<1x1x1x2x128xi32, #tpu.memory_space<hbm>> -> memref<2x128xi32, #tpu.memory_space<hbm>>
        %dma_wait3A_26 = arith.constant 0 : i32
        %dma_wait3A_27 = arith.constant 0 : i32
        %dma_wait3A_28 = tpu.memref_slice %arg3[%arg0, %arg1, %add3A_13, %dma_wait3A_26, %dma_wait3A_27] : memref<2x16x80x2x128xi32, #tpu.memory_space<hbm>> -> memref<1x1x1x2x128xi32, #tpu.memory_space<hbm>>
        %dma_wait3A_29 = tpu.memref_squeeze %dma_wait3A_28 : memref<1x1x1x2x128xi32, #tpu.memory_space<hbm>> -> memref<2x128xi32, #tpu.memory_space<hbm>>
        tpu.wait_dma2 semaphore(%run_scoped3A_15 : memref<!tpu.dma_semaphore, #tpu.memory_space<semaphore_mem>>) src(%dma_wait3A_29 : memref<2x128xi32, #tpu.memory_space<hbm>>) dst(%arg7 : memref<2x128xi32, #tpu.memory_space<vmem>>)
        tpu.yield
      }) : () -> ()
      %run_scoped3A = arith.constant 0 : i32
      "tpu.region"() ({
        %run_scoped3A_15 = tpu.sem_alloc : memref<!tpu.dma_semaphore, #tpu.memory_space<semaphore_mem>>
        %dma_start3A = arith.constant 0 : i32
        %dma_start3A_16 = tpu.memref_slice %arg7[%run_scoped3A, %dma_start3A] : memref<2x128xi32, #tpu.memory_space<vmem>> -> memref<1x128xi32, #tpu.memory_space<vmem>>
        %dma_start3A_17 = tpu.memref_squeeze %dma_start3A_16 : memref<1x128xi32, #tpu.memory_space<vmem>> -> memref<128xi32, #tpu.memory_space<vmem>>
        %dma_start3A_18 = arith.constant 0 : i32
        %dma_start3A_19 = arith.constant 0 : i32
        %dma_start3A_20 = tpu.memref_slice %arg2[%dma_start3A_18, %dma_start3A_19] : memref<10240x128xf32, #tpu.memory_space<hbm>> -> memref<10240x128xf32, #tpu.memory_space<hbm>>
        tpu.enqueue_indirect_dma source(%dma_start3A_20 : memref<10240x128xf32, #tpu.memory_space<hbm>>) target(%arg8 : memref<128x128xf32, #tpu.memory_space<vmem>>) offsets(%dma_start3A_17 : memref<128xi32, #tpu.memory_space<vmem>>) semaphore(%run_scoped3A_15 : memref<!tpu.dma_semaphore, #tpu.memory_space<semaphore_mem>>)
        %dma_wait3A = arith.constant 0 : i32
        %dma_wait3A_21 = tpu.memref_slice %arg7[%run_scoped3A, %dma_wait3A] : memref<2x128xi32, #tpu.memory_space<vmem>> -> memref<1x128xi32, #tpu.memory_space<vmem>>
        %dma_wait3A_22 = tpu.memref_squeeze %dma_wait3A_21 : memref<1x128xi32, #tpu.memory_space<vmem>> -> memref<128xi32, #tpu.memory_space<vmem>>
        %dma_wait3A_23 = arith.constant 0 : i32
        %dma_wait3A_24 = arith.constant 0 : i32
        %dma_wait3A_25 = tpu.memref_slice %arg2[%dma_wait3A_23, %dma_wait3A_24] : memref<10240x128xf32, #tpu.memory_space<hbm>> -> memref<10240x128xf32, #tpu.memory_space<hbm>>
        tpu.wait_indirect_dma semaphore(%run_scoped3A_15 : memref<!tpu.dma_semaphore, #tpu.memory_space<semaphore_mem>>) src(%dma_wait3A_25 : memref<10240x128xf32, #tpu.memory_space<hbm>>) dst(%arg8 : memref<128x128xf32, #tpu.memory_space<vmem>>)
        tpu.yield
      }) : () -> ()
      %run_scoped3A_14 = arith.constant 1 : i32
      "tpu.region"() ({
        %run_scoped3A_15 = tpu.sem_alloc : memref<!tpu.dma_semaphore, #tpu.memory_space<semaphore_mem>>
        %dma_start3A = arith.constant 0 : i32
        %dma_start3A_16 = tpu.memref_slice %arg7[%run_scoped3A_14, %dma_start3A] : memref<2x128xi32, #tpu.memory_space<vmem>> -> memref<1x128xi32, #tpu.memory_space<vmem>>
        %dma_start3A_17 = tpu.memref_squeeze %dma_start3A_16 : memref<1x128xi32, #tpu.memory_space<vmem>> -> memref<128xi32, #tpu.memory_space<vmem>>
        %dma_start3A_18 = arith.constant 0 : i32
        %dma_start3A_19 = arith.constant 0 : i32
        %dma_start3A_20 = tpu.memref_slice %arg6[%dma_start3A_18, %dma_start3A_19] : memref<10240x128xf32, #tpu.memory_space<vmem_shared>> -> memref<10240x128xf32, #tpu.memory_space<vmem_shared>>
        tpu.enqueue_indirect_dma source(%arg8 : memref<128x128xf32, #tpu.memory_space<vmem>>) target(%dma_start3A_20 : memref<10240x128xf32, #tpu.memory_space<vmem_shared>>) offsets(%dma_start3A_17 : memref<128xi32, #tpu.memory_space<vmem>>) semaphore(%run_scoped3A_15 : memref<!tpu.dma_semaphore, #tpu.memory_space<semaphore_mem>>) {add = true}
        %dma_wait3A = arith.constant 0 : i32
        %dma_wait3A_21 = tpu.memref_slice %arg7[%run_scoped3A_14, %dma_wait3A] : memref<2x128xi32, #tpu.memory_space<vmem>> -> memref<1x128xi32, #tpu.memory_space<vmem>>
        %dma_wait3A_22 = tpu.memref_squeeze %dma_wait3A_21 : memref<1x128xi32, #tpu.memory_space<vmem>> -> memref<128xi32, #tpu.memory_space<vmem>>
        %dma_wait3A_23 = arith.constant 0 : i32
        %dma_wait3A_24 = arith.constant 0 : i32
        %dma_wait3A_25 = tpu.memref_slice %arg6[%dma_wait3A_23, %dma_wait3A_24] : memref<10240x128xf32, #tpu.memory_space<vmem_shared>> -> memref<10240x128xf32, #tpu.memory_space<vmem_shared>>
        tpu.wait_indirect_dma semaphore(%run_scoped3A_15 : memref<!tpu.dma_semaphore, #tpu.memory_space<semaphore_mem>>) src(%arg8 : memref<128x128xf32, #tpu.memory_space<vmem>>) dst(%dma_wait3A_25 : memref<10240x128xf32, #tpu.memory_space<vmem_shared>>)
        tpu.yield
      }) : () -> ()
    }
    %scan3A_4 = arith.constant 80 : i32
    %barrier3A_5 = arith.constant 0 : index
    tpu.barrier barrier_id(%barrier3A_5)
    %mul3A_6 = arith.constant 320 : i32
    %mul3A_7 = arith.muli %arg1, %mul3A_6 : i32
    %mul3A_8 = arith.constant 320 : i32
    %mul3A_9 = arith.muli %arg1, %mul3A_8 : i32
    "tpu.region"() ({
      %run_scoped3A = tpu.sem_alloc : memref<!tpu.dma_semaphore, #tpu.memory_space<semaphore_mem>>
      %dma_start3A = arith.constant 0 : i32
      %dma_start3A_10 = tpu.memref_slice %arg5[%arg0, %mul3A_9, %dma_start3A] : memref<2x10240x128xf32, #tpu.memory_space<hbm>> -> memref<1x320x128xf32, #tpu.memory_space<hbm>>
      %dma_start3A_11 = tpu.memref_squeeze %dma_start3A_10 : memref<1x320x128xf32, #tpu.memory_space<hbm>> -> memref<320x128xf32, #tpu.memory_space<hbm>>
      %dma_start3A_12 = arith.constant 0 : i32
      %dma_start3A_13 = tpu.memref_slice %arg6[%mul3A_7, %dma_start3A_12] : memref<10240x128xf32, #tpu.memory_space<vmem_shared>> -> memref<320x128xf32, #tpu.memory_space<vmem_shared>>
      tpu.enqueue_dma source(%dma_start3A_13 : memref<320x128xf32, #tpu.memory_space<vmem_shared>>) target(%dma_start3A_11 : memref<320x128xf32, #tpu.memory_space<hbm>>) target_semaphore(%run_scoped3A : memref<!tpu.dma_semaphore, #tpu.memory_space<semaphore_mem>>)
      %dma_wait3A = arith.constant 0 : i32
      %dma_wait3A_14 = tpu.memref_slice %arg5[%arg0, %mul3A_9, %dma_wait3A] : memref<2x10240x128xf32, #tpu.memory_space<hbm>> -> memref<1x320x128xf32, #tpu.memory_space<hbm>>
      %dma_wait3A_15 = tpu.memref_squeeze %dma_wait3A_14 : memref<1x320x128xf32, #tpu.memory_space<hbm>> -> memref<320x128xf32, #tpu.memory_space<hbm>>
      %dma_wait3A_16 = arith.constant 0 : i32
      %dma_wait3A_17 = tpu.memref_slice %arg6[%mul3A_7, %dma_wait3A_16] : memref<10240x128xf32, #tpu.memory_space<vmem_shared>> -> memref<320x128xf32, #tpu.memory_space<vmem_shared>>
      tpu.wait_dma2 semaphore(%run_scoped3A : memref<!tpu.dma_semaphore, #tpu.memory_space<semaphore_mem>>) src(%dma_wait3A_17 : memref<320x128xf32, #tpu.memory_space<vmem_shared>>) dst(%dma_wait3A_15 : memref<320x128xf32, #tpu.memory_space<hbm>>)
      tpu.yield
    }) : () -> ()
    return
  }
}

module attributes {stable_mosaic.version = 14 : i64} {
  func.func @_xws_tc_body(%arg0: i32, %arg1: memref<1280x128xf32, #tpu.memory_space<vmem>>, %arg2: memref<128x128xf32, #tpu.memory_space<vmem>>, %arg3: memref<2x1280x16xf32, #tpu.memory_space<vmem>>, %arg4: memref<1280x128xf32, #tpu.memory_space<vmem>>) attributes {dimension_semantics = [#tpu.dimension_semantics<arbitrary>], iteration_bounds = array<i64: 8>, scalar_prefetch = 0 : i64, scratch_operands = 0 : i64, tpu.core_type = #tpu.core_type<tc>, window_params = [{transform_indices = @transform_0, window_bounds = array<i64: 1280, 128>}, {pipeline_mode = #tpu.pipeline_mode<synchronous>, transform_indices = @transform_1, window_bounds = array<i64: 128, 128>}, {transform_indices = @transform_2, window_bounds = array<i64: 2, 1280, 16>}, {transform_indices = @transform_3, window_bounds = array<i64: 1280, 128>}]} {
    %get3A = arith.constant 0 : index
    %get3A_0 = arith.constant 0 : index
    %get3A_1 = vector.load %arg1[%get3A, %get3A_0] : memref<1280x128xf32, #tpu.memory_space<vmem>>, vector<1280x128xf32>
    %get3A_2 = arith.constant 0 : index
    %get3A_3 = arith.constant 0 : index
    %get3A_4 = vector.load %arg2[%get3A_2, %get3A_3] : memref<128x128xf32, #tpu.memory_space<vmem>>, vector<128x128xf32>
    %dot_general3A = arith.constant dense<0.000000e+00> : vector<1280x128xf32>
    %dot_general3A_5 = tpu.matmul %get3A_1, %get3A_4, %dot_general3A {dimension_numbers = #tpu.dot_dimension_numbers<[1], [0], [0], [1], [0, 0, 1, 1], [], []>, precision = #tpu.contract_precision<fp32>, transpose_lhs_hint = false} : vector<1280x128xf32>, vector<128x128xf32>, vector<1280x128xf32> -> vector<1280x128xf32>
    %get3A_6 = arith.constant 0 : index
    %get3A_7 = arith.constant 0 : index
    %get3A_8 = arith.constant 0 : index
    %get3A_9 = vector.load %arg3[%get3A_6, %get3A_7, %get3A_8] : memref<2x1280x16xf32, #tpu.memory_space<vmem>>, vector<1x1280x16xf32>
    %get3A_10 = vector.shape_cast %get3A_9 : vector<1x1280x16xf32> to vector<1280x16xf32>
    %slice3A = vector.extract_strided_slice %get3A_10 {offsets = [0, 0], sizes = [1280, 1], strides = [1, 1]} : vector<1280x16xf32> to vector<1280x1xf32>
    %get3A_11 = arith.constant 1 : index
    %get3A_12 = arith.constant 0 : index
    %get3A_13 = arith.constant 0 : index
    %get3A_14 = vector.load %arg3[%get3A_11, %get3A_12, %get3A_13] : memref<2x1280x16xf32, #tpu.memory_space<vmem>>, vector<1x1280x16xf32>
    %get3A_15 = vector.shape_cast %get3A_14 : vector<1x1280x16xf32> to vector<1280x16xf32>
    %slice3A_16 = vector.extract_strided_slice %get3A_15 {offsets = [0, 0], sizes = [1280, 1], strides = [1, 1]} : vector<1280x16xf32> to vector<1280x1xf32>
    %add3A = arith.addf %slice3A, %slice3A_16 : vector<1280x1xf32>
    %add3A_17 = arith.constant 1.000000e+00 : f32
    %add3A_18 = vector.broadcast %add3A_17 : f32 to vector<1280x1xf32>
    %add3A_19 = arith.addf %add3A, %add3A_18 : vector<1280x1xf32>
    %rsqrt3A = math.rsqrt %add3A_19 : vector<1280x1xf32>
    %mul3A = vector.broadcast %rsqrt3A : vector<1280x1xf32> to vector<1280x128xf32>
    %mul3A_20 = arith.mulf %dot_general3A_5, %mul3A : vector<1280x128xf32>
    %swap3A = arith.constant 0 : index
    %swap3A_21 = arith.constant 0 : index
    %swap3A_22 = vector.load %arg4[%swap3A, %swap3A_21] : memref<1280x128xf32, #tpu.memory_space<vmem>>, vector<1280x128xf32>
    tpu.vector_store %arg4[%swap3A, %swap3A_21], %mul3A_20 {strides = array<i32>} : memref<1280x128xf32, #tpu.memory_space<vmem>>, vector<1280x128xf32>,
    return
  }
  func.func @transform_0(%arg0: i32) -> (i32, i32) {
    %c0_i32 = arith.constant 0 : i32
    %c0_i32_0 = arith.constant 0 : i32
    return %arg0, %c0_i32 : i32, i32
  }
  func.func @transform_1(%arg0: i32) -> (i32, i32) {
    %c0_i32 = arith.constant 0 : i32
    %c0_i32_0 = arith.constant 0 : i32
    %c0_i32_1 = arith.constant 0 : i32
    return %c0_i32, %c0_i32_0 : i32, i32
  }
  func.func @transform_2(%arg0: i32) -> (i32, i32, i32) {
    %c0_i32 = arith.constant 0 : i32
    %c0_i32_0 = arith.constant 0 : i32
    %c0_i32_1 = arith.constant 0 : i32
    return %c0_i32, %arg0, %c0_i32_0 : i32, i32, i32
  }
  func.func @transform_3(%arg0: i32) -> (i32, i32) {
    %c0_i32 = arith.constant 0 : i32
    %c0_i32_0 = arith.constant 0 : i32
    return %arg0, %c0_i32 : i32, i32
  }
}

module attributes {stable_mosaic.version = 14 : i64} {
  func.func @_fin_tc_body(%arg0: i32, %arg1: memref<2x1280x128xf32, #tpu.memory_space<vmem>>, %arg2: memref<1280x128xf32, #tpu.memory_space<vmem>>, %arg3: memref<2x1280x16xf32, #tpu.memory_space<vmem>>, %arg4: memref<1x128xf32, #tpu.memory_space<vmem>>, %arg5: memref<1x128xf32, #tpu.memory_space<vmem>>, %arg6: memref<1x128xf32, #tpu.memory_space<vmem>>, %arg7: memref<1280x128xf32, #tpu.memory_space<vmem>>) attributes {dimension_semantics = [#tpu.dimension_semantics<arbitrary>], iteration_bounds = array<i64: 8>, scalar_prefetch = 0 : i64, scratch_operands = 0 : i64, tpu.core_type = #tpu.core_type<tc>, window_params = [{transform_indices = @transform_0, window_bounds = array<i64: 2, 1280, 128>}, {transform_indices = @transform_1, window_bounds = array<i64: 1280, 128>}, {transform_indices = @transform_2, window_bounds = array<i64: 2, 1280, 16>}, {pipeline_mode = #tpu.pipeline_mode<synchronous>, transform_indices = @transform_3, window_bounds = array<i64: 1, 128>}, {pipeline_mode = #tpu.pipeline_mode<synchronous>, transform_indices = @transform_4, window_bounds = array<i64: 1, 128>}, {pipeline_mode = #tpu.pipeline_mode<synchronous>, transform_indices = @transform_5, window_bounds = array<i64: 1, 128>}, {transform_indices = @transform_6, window_bounds = array<i64: 1280, 128>}]} {
    %get3A = arith.constant 0 : index
    %get3A_0 = arith.constant 0 : index
    %get3A_1 = arith.constant 0 : index
    %get3A_2 = vector.load %arg3[%get3A, %get3A_0, %get3A_1] : memref<2x1280x16xf32, #tpu.memory_space<vmem>>, vector<1x1280x16xf32>
    %get3A_3 = vector.shape_cast %get3A_2 : vector<1x1280x16xf32> to vector<1280x16xf32>
    %slice3A = vector.extract_strided_slice %get3A_3 {offsets = [0, 0], sizes = [1280, 1], strides = [1, 1]} : vector<1280x16xf32> to vector<1280x1xf32>
    %get3A_4 = arith.constant 1 : index
    %get3A_5 = arith.constant 0 : index
    %get3A_6 = arith.constant 0 : index
    %get3A_7 = vector.load %arg3[%get3A_4, %get3A_5, %get3A_6] : memref<2x1280x16xf32, #tpu.memory_space<vmem>>, vector<1x1280x16xf32>
    %get3A_8 = vector.shape_cast %get3A_7 : vector<1x1280x16xf32> to vector<1280x16xf32>
    %slice3A_9 = vector.extract_strided_slice %get3A_8 {offsets = [0, 0], sizes = [1280, 1], strides = [1, 1]} : vector<1280x16xf32> to vector<1280x1xf32>
    %add3A = arith.addf %slice3A, %slice3A_9 : vector<1280x1xf32>
    %add3A_10 = arith.constant 1.000000e+00 : f32
    %add3A_11 = vector.broadcast %add3A_10 : f32 to vector<1280x1xf32>
    %add3A_12 = arith.addf %add3A, %add3A_11 : vector<1280x1xf32>
    %rsqrt3A = math.rsqrt %add3A_12 : vector<1280x1xf32>
    %get3A_13 = arith.constant 0 : index
    %get3A_14 = arith.constant 0 : index
    %get3A_15 = arith.constant 0 : index
    %get3A_16 = vector.load %arg1[%get3A_13, %get3A_14, %get3A_15] : memref<2x1280x128xf32, #tpu.memory_space<vmem>>, vector<1x1280x128xf32>
    %get3A_17 = vector.shape_cast %get3A_16 : vector<1x1280x128xf32> to vector<1280x128xf32>
    %get3A_18 = arith.constant 1 : index
    %get3A_19 = arith.constant 0 : index
    %get3A_20 = arith.constant 0 : index
    %get3A_21 = vector.load %arg1[%get3A_18, %get3A_19, %get3A_20] : memref<2x1280x128xf32, #tpu.memory_space<vmem>>, vector<1x1280x128xf32>
    %get3A_22 = vector.shape_cast %get3A_21 : vector<1x1280x128xf32> to vector<1280x128xf32>
    %add3A_23 = arith.addf %get3A_17, %get3A_22 : vector<1280x128xf32>
    %get3A_24 = arith.constant 0 : index
    %get3A_25 = arith.constant 0 : index
    %get3A_26 = vector.load %arg2[%get3A_24, %get3A_25] : memref<1280x128xf32, #tpu.memory_space<vmem>>, vector<1280x128xf32>
    %add3A_27 = arith.addf %add3A_23, %get3A_26 : vector<1280x128xf32>
    %mul3A = vector.broadcast %rsqrt3A : vector<1280x1xf32> to vector<1280x128xf32>
    %mul3A_28 = arith.mulf %add3A_27, %mul3A : vector<1280x128xf32>
    %get3A_29 = arith.constant 0 : index
    %get3A_30 = arith.constant 0 : index
    %get3A_31 = vector.load %arg4[%get3A_29, %get3A_30] : memref<1x128xf32, #tpu.memory_space<vmem>>, vector<1x128xf32>
    %add3A_32 = vector.broadcast %get3A_31 : vector<1x128xf32> to vector<1280x128xf32>
    %add3A_33 = arith.addf %mul3A_28, %add3A_32 : vector<1280x128xf32>
    %mul3A_34 = arith.constant 0.999994993 : f32
    %mul3A_35 = vector.broadcast %mul3A_34 : f32 to vector<1280x128xf32>
    %mul3A_36 = arith.mulf %add3A_33, %mul3A_35 : vector<1280x128xf32>
    %get3A_37 = arith.constant 0 : index
    %get3A_38 = arith.constant 0 : index
    %get3A_39 = vector.load %arg5[%get3A_37, %get3A_38] : memref<1x128xf32, #tpu.memory_space<vmem>>, vector<1x128xf32>
    %mul3A_40 = vector.broadcast %get3A_39 : vector<1x128xf32> to vector<1280x128xf32>
    %mul3A_41 = arith.mulf %mul3A_36, %mul3A_40 : vector<1280x128xf32>
    %get3A_42 = arith.constant 0 : index
    %get3A_43 = arith.constant 0 : index
    %get3A_44 = vector.load %arg6[%get3A_42, %get3A_43] : memref<1x128xf32, #tpu.memory_space<vmem>>, vector<1x128xf32>
    %add3A_45 = vector.broadcast %get3A_44 : vector<1x128xf32> to vector<1280x128xf32>
    %add3A_46 = arith.addf %mul3A_41, %add3A_45 : vector<1280x128xf32>
    %max3A = arith.constant 0.000000e+00 : f32
    %max3A_47 = vector.broadcast %max3A : f32 to vector<1280x128xf32>
    %max3A_48 = arith.maximumf %add3A_46, %max3A_47 : vector<1280x128xf32>
    %swap3A = arith.constant 0 : index
    %swap3A_49 = arith.constant 0 : index
    %swap3A_50 = vector.load %arg7[%swap3A, %swap3A_49] : memref<1280x128xf32, #tpu.memory_space<vmem>>, vector<1280x128xf32>
    tpu.vector_store %arg7[%swap3A, %swap3A_49], %max3A_48 {strides = array<i32>} : memref<1280x128xf32, #tpu.memory_space<vmem>>, vector<1280x128xf32>,
    return
  }
  func.func @transform_0(%arg0: i32) -> (i32, i32, i32) {
    %c0_i32 = arith.constant 0 : i32
    %c0_i32_0 = arith.constant 0 : i32
    %c0_i32_1 = arith.constant 0 : i32
    return %c0_i32, %arg0, %c0_i32_0 : i32, i32, i32
  }
  func.func @transform_1(%arg0: i32) -> (i32, i32) {
    %c0_i32 = arith.constant 0 : i32
    %c0_i32_0 = arith.constant 0 : i32
    return %arg0, %c0_i32 : i32, i32
  }
  func.func @transform_2(%arg0: i32) -> (i32, i32, i32) {
    %c0_i32 = arith.constant 0 : i32
    %c0_i32_0 = arith.constant 0 : i32
    %c0_i32_1 = arith.constant 0 : i32
    return %c0_i32, %arg0, %c0_i32_0 : i32, i32, i32
  }
  func.func @transform_3(%arg0: i32) -> (i32, i32) {
    %c0_i32 = arith.constant 0 : i32
    %c0_i32_0 = arith.constant 0 : i32
    %c0_i32_1 = arith.constant 0 : i32
    return %c0_i32, %c0_i32_0 : i32, i32
  }
  func.func @transform_4(%arg0: i32) -> (i32, i32) {
    %c0_i32 = arith.constant 0 : i32
    %c0_i32_0 = arith.constant 0 : i32
    %c0_i32_1 = arith.constant 0 : i32
    return %c0_i32, %c0_i32_0 : i32, i32
  }
  func.func @transform_5(%arg0: i32) -> (i32, i32) {
    %c0_i32 = arith.constant 0 : i32
    %c0_i32_0 = arith.constant 0 : i32
    %c0_i32_1 = arith.constant 0 : i32
    return %c0_i32, %c0_i32_0 : i32, i32
  }
  func.func @transform_6(%arg0: i32) -> (i32, i32) {
    %c0_i32 = arith.constant 0 : i32
    %c0_i32_0 = arith.constant 0 : i32
    return %arg0, %c0_i32 : i32, i32
  }
}

</mosaic_0001>

<sc_bundles>
// kernel: kernel.6.cloned.1.call-start
scs
__scs_entry_jumppad:
0x0: {  	(pc) =	sbr.rel $0x88, $3  }
0x1: {  	(tag) =	ssettag $0x0;
	lr =	simm.s32 $0x1  }
0x2: {  	[smem:$0x3F9B] =	sst lr;
	_ =	strace $0xD0000000  }
0x3: {  	_ = 	snop  }
0x4: {  	_ = 	snop  }
0x5: {  	_ = 	snop  }
0x6: {  	_ = 	snop  }
0x7: {  	_ = 	snop  }
__scs_overlays_trampoline_lowered:
0x8: {  	[smem:$0x3FAA] =	sst s0  }
0x9: {  	[smem:$0x3FAB] =	sst s1  }
0xa: {  	[smem:$0x3FAC] =	sst s2  }
0xb: {  	[smem:$0x3FAD] =	sst s3  }
0xc: {  	[smem:$0x3FAE] =	sst s4  }
0xd: {  	[smem:$0x3FAF] =	sst s5  }
0xe: {  	[smem:$0x3FB0] =	sst s6  }
0xf: {  	[smem:$0x3FB1] =	sst s7  }
0x10: {  	[smem:$0x3FB2] =	sst s8  }
0x11: {  	[smem:$0x3FB3] =	sst s9;
	s0 =	simm.s32 @!p0 $0x0  }
0x12: {  	s1 =	sld [smem:$0x3F99];
	s0 =	simm.s32 @p0 $0x1  }
0x13: {  	[smem:$0x3FB4] =	sst s0;
	s0 =	simm.s32 @!p1 $0x0  }
0x14: {  	s2 =	sld [smem:$0x3F98];
	s0 =	simm.s32 @p1 $0x1  }
0x15: {  	[smem:$0x3FB5] =	sst s0;
	s0 =	simm.s32 @!p2 $0x0  }
0x16: {  	s3 =	sld [smem:$0x3FDB];
	s0 =	simm.s32 @p2 $0x1  }
0x17: {  	s4 =	simm.s32 $0x1BF5;
	[smem:$0x3FB7] =	sst s0  }
0x18: {  	s0 =	sld [smem:$0x3F9A];
	_ =	swait.ge [sflag:s4], $0x0  }
0x19: {  	s7 =	sld [smem:$0x3F9B]  }
0x1a: {  	s8 =	sadd.s32 $0xFFFFE003, lr  }
0x1b: {  	s9 =	sadd.s32 $0xFFFFFEF7, lr;
	s5 =	simm.s32 $0xFFFFFFFF;
	p2 =	slt.u32 s8, $0xFFFFF086  }
0x1c: {  	p1 =	slt.u32 s9, $0xF7A;
	s5 =	simm.s32 @!p2 $0x0  }
0x1d: {  	s5 =	simm.s32 @p1 $0x1;
	p0 =	seq.s32 s7, s2  }
0x1e: {  	s7 =	smul.u32 @!p0 $0xF7A, s2;
	p2 =	seq.s32 @!p0 s5, $0x0  }
0x1f: {  	s9 =	smul.u32 $0xF7A, s1;
	s8 =	simm.s32 @!p0 $0x1BF5;
	p2 =	por !p2, p0  }
0x20: {  	[sflag:s8] =	ssyncset.s32 @!p0 $0xFFFFF086;
	s6 =	sadd.s32 @!p0 s3, s7;
	s7 =	simm.s32 @!p0 $0x108  }
0x21: {  	s3 =	sadd.s32 s3, s9;
	s6 =	sadd.s32 @!p0 $0x88, s6;
	s7 =	simm.s32 @p2 $0x1082  }
0x22: {  	[simem:s7], [sflag:s8] =	dma.local @!p0 [hbm:s6], $0xF7A  }
0x23: {  	s9 =	sor.u32 $0xD0000000, s2;
	s6 =	simm.s32 $0x108;
	_ =	swait.ge @!p0 [sflag:s8], $0x0  }
0x24: {  	s3 =	sadd.s32 $0x88, s3;
	s6 =	simm.s32 @!p1 $0x1082;
	[sflag:s4] =	ssyncset.s32 $0xFFFFF086  }
0x25: {  	[simem:s6], [sflag:s4] =	dma.local [hbm:s3], $0xF7A  }
0x26: {  	[smem:$0x3F9B] =	sst s1;
	(tag) =	ssettag s2;
	_ =	strace s9  }
0x27: {  	s1 =	sld [smem:$0x3FAB]  }
0x28: {  	s2 =	sld [smem:$0x3FAC]  }
0x29: {  	s4 =	sld [smem:$0x3FAE]  }
0x2a: {  	p0 =	seq.s32 s5, $0x0;
	s5 =	sld [smem:$0x3FAF]  }
0x2b: {  	s6 =	sld [smem:$0x3FB0]  }
0x2c: {  	s7 =	sld [smem:$0x3FB1]  }
0x2d: {  	s3 =	simm.s32 $0x108;
	s8 =	sld [smem:$0x3FB2]  }
0x2e: {  	s3 =	simm.s32 @!p0 $0x1082;
	s9 =	sld [smem:$0x3FB3]  }
0x2f: {  	lr =	sadd.s32 s0, s3;
	s0 =	sld [smem:$0x3FAA]  }
0x30: {  	s3 =	sld [smem:$0x3FAD]  }
0x31: {  	[smem:$0x3FB6] =	sst s10  }
0x32: {  	s10 =	sld [smem:$0x3FB4];
	_ =	sdelay $0x3  }
0x33: {  	p0 =	seq.s32 s10, $0x1;
	s10 =	sld [smem:$0x3FB6];
	_ =	sdelay $0x3  }
0x34: {  	[smem:$0x3FB6] =	sst s10  }
0x35: {  	s10 =	sld [smem:$0x3FB5];
	_ =	sdelay $0x3  }
0x36: {  	p1 =	seq.s32 s10, $0x1;
	s10 =	sld [smem:$0x3FB6];
	_ =	sdelay $0x3  }
0x37: {  	[smem:$0x3FB6] =	sst s10  }
0x38: {  	s10 =	sld [smem:$0x3FB7]  }
0x39: {  	_ = 	snop;
	(pc) =	sbr.ind lr, $3  }
0x3a: {  	_ = 	snop  }
0x3b: {  	_ = 	snop  }
0x3c: {  	p2 =	seq.s32 s10, $0x1;
	s10 =	sld [smem:$0x3FB6]  }
0x3d: {  	_ =	shalt  }
0x3e: {  	_ =	shalt  }
0x3f: {  	_ =	shalt  }
0x40: {  	_ =	shalt  }
0x41: {  	_ =	shalt  }
0x42: {  	_ =	shalt  }
0x43: {  	_ =	shalt  }
0x44: {  	_ =	shalt  }
0x45: {  	_ =	shalt  }
0x46: {  	_ =	shalt  }
0x47: {  	_ =	shalt  }
0x48: {  	_ =	shalt  }
0x49: {  	_ =	shalt  }
0x4a: {  	_ =	shalt  }
0x4b: {  	_ =	shalt  }
0x4c: {  	_ =	shalt  }
0x4d: {  	_ =	shalt  }
0x4e: {  	_ =	shalt  }
0x4f: {  	_ =	shalt  }
0x50: {  	_ =	shalt  }
0x51: {  	_ =	shalt  }
0x52: {  	_ =	shalt  }
0x53: {  	_ =	shalt  }
0x54: {  	_ =	shalt  }
0x55: {  	_ =	shalt  }
0x56: {  	_ =	shalt  }
0x57: {  	_ =	shalt  }
0x58: {  	_ =	shalt  }
0x59: {  	_ =	shalt  }
0x5a: {  	_ =	shalt  }
0x5b: {  	_ =	shalt  }
0x5c: {  	_ =	shalt  }
0x5d: {  	_ =	shalt  }
0x5e: {  	_ =	shalt  }
0x5f: {  	_ =	shalt  }
0x60: {  	_ =	shalt  }
0x61: {  	_ =	shalt  }
0x62: {  	_ =	shalt  }
0x63: {  	_ =	shalt  }
0x64: {  	_ =	shalt  }
0x65: {  	_ =	shalt  }
0x66: {  	_ =	shalt  }
0x67: {  	_ =	shalt  }
0x68: {  	_ =	shalt  }
0x69: {  	_ =	shalt  }
0x6a: {  	_ =	shalt  }
0x6b: {  	_ =	shalt  }
0x6c: {  	_ =	shalt  }
0x6d: {  	_ =	shalt  }
0x6e: {  	_ =	shalt  }
0x6f: {  	_ =	shalt  }
0x70: {  	_ =	shalt  }
0x71: {  	_ =	shalt  }
0x72: {  	_ =	shalt  }
0x73: {  	_ =	shalt  }
0x74: {  	_ =	shalt  }
0x75: {  	_ =	shalt  }
0x76: {  	_ =	shalt  }
0x77: {  	_ =	shalt  }
0x78: {  	_ =	shalt  }
0x79: {  	_ =	shalt  }
0x7a: {  	_ =	shalt  }
0x7b: {  	_ =	shalt  }
0x7c: {  	_ =	shalt  }
0x7d: {  	_ =	shalt  }
0x7e: {  	_ =	shalt  }
0x7f: {  	_ =	shalt  }
0x80: {  	_ =	shalt  }
0x81: {  	_ =	shalt  }
0x82: {  	_ =	shalt  }
0x83: {  	_ =	shalt  }
0x84: {  	_ =	shalt  }
0x85: {  	_ =	shalt  }
0x86: {  	_ =	shalt  }
0x87: {  	_ =	shalt  }
.Lfunc_end0:
.L_simem_size_0:
called_computation_lowered:
.L_overlay_start_0:
0x88: {  	s2 =	sld [smem:$0x3FD9]  }
0x89: {  	s3 =	sld [smem:$0x3FFE];
	_ =	sdelay $0x1  }
0x8a: {  	s1 =	srdreg.scid  }
0x8b: {  	s0 =	sand.u32 $0x1, s1  }
0x8c: {  	s16 =	sshll.u32 s0, $0xA;
	s2 =	sadd.s32 s3, s2  }
0x8d: {  	s2 =	sadd.s32 s2, s16  }
0x8e: {  	[smem:$0x3FC2] =	sst s2  }
0x8f: {  	_ = 	snop  }
0x90: {  	(tm) =	ssettm $0x1  }
0x91: {  	s17 =	sld [smem:$0x3FFB];
	_ =	sdelay $0x3  }
0x92: {  	_ =	strace s17  }
0x93: {  	s2 =	sld [smem:$0x3FFC];
	_ =	sdelay $0x3  }
0x94: {  	_ =	strace s2  }
0x95: {  	s2 =	sld [smem:$0x3FFD];
	_ =	sdelay $0x3  }
0x96: {  	_ =	strace s2  }
0x97: {  	_ =	strace $0x8FFFFFFF  }
0x98: {  	s18 =	sld [smem:$0x3FDB];
	_ =	sdelay $0x1  }
0x99: {  	s19 =	simm.s32 $_scs_section_size  }
0x9a: {  	s4 =	simm.s32 $_size__tile_overlayer_lowered;
	s5 =	simm.s32 $_tile_overlayer_lowered  }
0x9b: {  	s22 =	simm.s32 $0x1BFF;
	s21 =	sshll.u32 s5, $0x1;
	s2 =	sadd.s32 s19, s18  }
0x9c: {  	s6 =	simm.s32 $0x0;
	s20 =	sshll.u32 s4, $0x1;
	s4 =	sadd.s32 s21, s2  }
0x9d: {  	[timem:s6], [sflag:s22] =	dma.local [hbm:s4], s20  }
0x9e: {  	_ =	swait.ge [sflag:s22], s20  }
0x9f: {  	s3 =	ssub.s32 $0x0, s20;
	[sflag:s22] =	ssyncset.done $0x0  }
0xa0: {  	[sflag:s22] =	ssyncadd.s32 s3;
	_ =	sdelay $0x1  }
0xa1: {  	s23 =	simm.s32 $0x1B8B  }
0xa2: {  	_ =	swait.ge [sflag:s23], $0x1  }
0xa3: {  	[sflag:s23] =	ssyncset.done $0x0  }
0xa4: {  	s25 =	simm.s32 $0x1B8E;
	s24 =	sld [smem:$0x3FFE];
	[sflag:s23] =	ssyncadd.s32 $0xFFFFFFFF  }
0xa5: {  	s26 =	simm.s32 $execute0_lowered;
	[smem:$0x3FD2] =	sst s25  }
0xa6: {  	s4 =	sshll.u32 s26, $0x1;
	_ =	strace $0x80000046;
	[dreg:$0x1] =	wrdreg $0xFFFFFFFF  }
0xa7: {  	s28 =	simm.s32 $_size_execute0_lowered;
	s2 =	sadd.s32 s2, s4;
	[dreg:$0x0] =	wrdreg $0x0  }
0xa8: {  	s4 =	sshll.u32 s28, $0x1;
	[dreg:$0x2] =	wrdreg s2  }
0xa9: {  	[dreg:$0x3] =	wrdreg s4  }
0xaa: {  	[dreg:$0x4] =	wrdreg $0xC0  }
0xab: {  	_ =	task [dreg:s6], $0x5FFFF  }
0xac: {  	[dreg:$0x1] =	wrdreg $0xFFFFFFFF  }
0xad: {  	[dreg:$0x0] =	wrdreg $0x60  }
0xae: {  	[dreg:$0x2] =	wrdreg s24  }
0xaf: {  	[dreg:$0x3] =	wrdreg $0x0  }
0xb0: {  	[dreg:$0x4] =	wrdreg $0x9  }
0xb1: {  	_ =	task.clear_ibuf [dreg:s6], $0x5FFFF;
	_ =	strace $0x90000046  }
0xb2: {  	s29 =	simm.s32 $0x9;
	_ =	strace $0x80000048  }
0xb3: {  	_ =	swait.ge [sflag:s29], $0x1  }
0xb4: {  	[sflag:s29] =	ssyncadd.s32 $0xFFFFFFFF  }
0xb5: {  	_ =	strace $0x90000048  }
0xb6: {  	_ =	sfence  }
0xb7: {  	s30 =	sld [smem:$0x0];
	_ =	sdelay $0x2  }
0xb8: {  	s31 =	sshll.u32 s1, $0xD;
	s1 =	sshrl.u32 s1, $0x2  }
0xb9: {  	s3 =	sand.u32 $0x4000, s31;
	s1 =	sadd.s32 s1, s30  }
0xba: {  	s0 =	sor.u32 s3, s0;
	s1 =	sshll.u32 s1, $0x11  }
0xbb: {  	s0 =	sor.u32 s1, s0  }
0xbc: {  	s0 =	sadd.s32 $0x8F2B, s0  }
0xbd: {  	[sflag:s0] =	ssyncadd.remote.s32 $0x1  }
0xbe: {  	_ =	sfence.sel $0xFFFF  }
0xbf: {  	[dreg:$0x0] =	wrdreg $0xFFFFFFFF;
	(pc) =	sbr.abs _section_cstart, $3  }
0xc0: {  	[dreg:$0x1] =	wrdreg $0xFFFFFFFF  }
0xc1: {  	_ =	task.clear_ibuf [dreg:s6], $0x2FFFF;
	_ =	strace $0x9FFFFFFF  }
0xc2: {  	(tm) =	ssettm $0x7FFFFFFF  }
0xc3: {  	_ =	shalt  }
tec
execute0_lowered:
.L_overlay_start_1:
0x0: {  	(tag) =	ssettag $0x1  }
0x1: {  	s7 =	rddreg [dreg:$0x0]  }
0x2: {  	s1 =	rddreg [dreg:$0x1];
	s2 =	srdreg.scid  }
0x3: {  	s0 =	rddreg [dreg:$0x2];
	s3 =	simm.s32 $0x0;
	s8 =	sand.u32 $0x1, s2  }
0x4: {  	s14 =	simm.s32 $0x2800;
	s2 =	stileid.u32;
	s9 =	smul.u32 $0x140000, s8  }
0x5: {  	s15 =	simm.s32 $0x80;
	s16 =	simm.s32 $0x0;
	s10 =	smul.u32 $0xA000, s2  }
0x6: {  	[smem:$0x7FF] =	sst s3;
	s4 =	sadd.s32 $0x2000, s7;
	s11 =	smul.u32 $0x28000, s2  }
0x7: {  	s5 =	sadd.s32 $0xC800, s7;
	s30 =	ssub.s32 $0x2, s8;
	s8 =	smul.u32 $0x28000, s8  }
0x8: {  	s6 =	sadd.s32 $0xC000, s7;
	_ =	strace $0x80000047;
	s13 =	smul.u32 $0x2800, s2  }
0x9: {  	s12 =	sshll.u32 s2, $0x6;
	s31 =	sshrl.u32 s30, $0x1;
	s9 =	sadd.s32 s10, s9  }
0xa: {  	s11 =	sshrl.u32 s11, $0x2;
	s10 =	ssub.s32 s30, s31;
	s8 =	sadd.s32 s13, s8  }
0xb: {  	s13 =	simm.s32 $0x2880;
	s9 =	sshrl.u32 s9, $0x3;
	s11 =	sadd.s32 s11, s1  }
0xc: {  	s10 =	smax.u32 s10, $0x1;
	s9 =	sadd.s32 s9, s7;
	s7 =	sor.u32 $0x1C01, s12  }
0xd: {  	s11 =	sshrl.u32 s11, $0x3;
	s12 =	simm.s32 $0x1;
	s9 =	sadd.s32 $0xDC00, s9  }
.LBB2_1:
0xe: {  	[spmem:s11], [sflag:s7] =	dma.local [hbm:s5], $0x1400  }
0xf: {  	_ =	swait.ge [sflag:s12], $0x1400  }
0x10: {  	[sflag:s12] =	ssyncset.done $0x0  }
0x11: {  	s17 =	sand.u32 $0x3C00, s3;
	[sflag:s12] =	ssyncadd.s32 $0xFFFFEC00  }
0x12: {  	[tilespmem:s13], [sflag:$0x1] =	stream.linear.gather [hbm4b:s6+s3], $0x4000, $0x38;
	[tilespmem:$0x6880] =	vst v63  }
0x13: {  	s18 =	sand.u32 $0x380, s3;
	s17 =	sadd.s32 s17, s8;
	_ =	swait.ge [sflag:s12], $0x4000  }
0x14: {  	s17 =	sor.u32 s18, s17;
	[sflag:s12] =	ssyncset.done $0x0  }
0x15: {  	s17 =	sshrl.u32 s17, $0x3;
	[sflag:s12] =	ssyncadd.s32 $0xFFFFC000  }
0x16: {  	s17 =	sadd.s32 s4, s17;
	[bflag:$0x0] =	sbarrier.arrive $0xFFFF  }
0x17: {  	[tilespmem:s14], [sflag:$0x1] =	stream.linear.gather [hbm4b:s17+s3], $0x80, $0x38;
	[tilespmem:$0x6880] =	vst v63  }
0x18: {  	_ =	swait.ge [sflag:s12], $0x80  }
0x19: {  	s30 =	simm.s32 $0x80;
	[sflag:s12] =	ssyncset.done $0x0  }
0x1a: {  	s31 =	sand.u32 $0x3C00, s30;
	[sflag:s12] =	ssyncadd.s32 $0xFFFFFF80  }
0x1b: {  	[spmem:s1] =	stream.indirect.scatter.add.f32 [tilespmem:s13], [sflag:$0x1], $0x10, s14, s15, $0xb8;
	[tilespmem:$0x6880] =	vst v63  }
0x1c: {  	s19 =	sand.u32 $0x380, s30;
	s18 =	sadd.s32 s31, s8;
	_ =	swait.ge [sflag:s12], $0x800  }
0x1d: {  	s18 =	sor.u32 s19, s18;
	s17 =	simm.s32 $0x100;
	[sflag:s12] =	ssyncset.done $0x0  }
.LBB2_2:
0x1e: {  	s18 =	sshrl.u32 s18, $0x3  }
0x1f: {  	[sflag:s12] =	ssyncadd.s32 $0xFFFFF800;
	s19 =	smov.u32 s17;
	s20 =	sadd.s32 $0x80, s17  }
0x20: {  	p0 =	sne.s32 s17, $0x2780;
	s17 =	sadd.s32 s4, s18  }
0x21: {  	[tilespmem:s14], [sflag:$0x1] =	stream.linear.gather [hbm4b:s17+s3], $0x80, $0x38;
	[tilespmem:$0x6880] =	vst v63  }
0x22: {  	_ =	swait.ge [sflag:s12], $0x80  }
.Ltmp0:
0x23: {  	[sflag:s12] =	ssyncset.done $0x0;
	(pc) =	sbr.rel @p0 .LBB2_2-.Ltmp0, $4  }
0x24: {  	s17 =	sand.u32 $0x3C00, s19;
	[sflag:s12] =	ssyncadd.s32 $0xFFFFFF80  }
0x25: {  	[spmem:s1] =	stream.indirect.scatter.add.f32 [tilespmem:s13], [sflag:$0x1], $0x10, s14, s15, $0xb8;
	[tilespmem:$0x6880] =	vst v63  }
0x26: {  	s18 =	sand.u32 $0x380, s19;
	s17 =	sadd.s32 s17, s8;
	_ =	swait.ge [sflag:s12], $0x800  }
0x27: {  	s18 =	sor.u32 s18, s17;
	s17 =	smov.u32 s20;
	[sflag:s12] =	ssyncset.done $0x0  }
0x28: {  	s17 =	sshrl.u32 s18, $0x3  }
0x29: {  	[sflag:s12] =	ssyncadd.s32 $0xFFFFF800;
	s17 =	sadd.s32 s4, s17  }
0x2a: {  	[tilespmem:s14], [sflag:$0x1] =	stream.linear.gather [hbm4b:s17+s3], $0x80, $0x38;
	[tilespmem:$0x6880] =	vst v63  }
0x2b: {  	_ =	swait.ge [sflag:s12], $0x80  }
0x2c: {  	[sflag:s12] =	ssyncset.done $0x0  }
0x2d: {  	[sflag:s12] =	ssyncadd.s32 $0xFFFFFF80  }
0x2e: {  	[spmem:s1] =	stream.indirect.scatter.add.f32 [tilespmem:s13], [sflag:$0x1], $0x10, s14, s15, $0xb8;
	[tilespmem:$0x6880] =	vst v63  }
0x2f: {  	_ =	swait.ge [sflag:s12], $0x800  }
0x30: {  	s16 =	sadd.s32 $0x1, s16;
	[sflag:s12] =	ssyncset.done $0x0  }
0x31: {  	p0 =	sne.s32 s16, s10;
	[sflag:s12] =	ssyncadd.s32 $0xFFFFF800  }
.Ltmp1:
0x32: {  	[bflag:$0x0] =	sbarrier.arrive $0xFFFF;
	(pc) =	sbr.rel @p0 .LBB2_1-.Ltmp1, $4  }
0x33: {  	[hbm:s9], [sflag:s7] =	dma.local [spmem:s11], $0x1400  }
0x34: {  	_ =	swait.ge [sflag:s12], $0x1400  }
0x35: {  	[sflag:s12] =	ssyncset.done $0x0  }
0x36: {  	[sflag:s12] =	ssyncadd.s32 $0xFFFFEC00  }
0x37: {  	_ =	sfence.sel $0x180000  }
0x38: {  	[bflag:$0x0] =	sbarrier.arrive $0xFFFF  }
0x39: {  	p0 =	sne.s32 s2, $0x0;
	_ =	strace $0x90000047  }
0x3a: {  	s0 =	sadd.s32 @!p0 $0x100000, s0;
	[bflag:$0x2] =	sbarrier.arrive $0xFFFF  }
0x3b: {  	[sflag:s0] =	ssyncadd.tile.s32 @!p0 $0x1;
	_ =	shalt  }
.Lfunc_end2:
_tile_overlayer_lowered:
.L_overlay_start_2:
0x3c: {  	(tag) =	ssettag $0x2  }
0x3d: {  	s0 =	rddreg [dreg:$0x0];
	s2 =	stileid.u32  }
0x3e: {  	s1 =	rddreg [dreg:$0x1];
	p0 =	sne.s32 s2, $0x0  }
0x3f: {  	s3 =	rddreg [dreg:$0x2];
	[bflag:$0x3] =	sbarrier.arrive $0xFFFF;
	s2 =	simm.s32 @!p0 $0x1C01  }
0x40: {  	[timem:s3], [sflag:s2] =	dma.local @!p0 [hbm:s0], s1  }
0x41: {  	s0 =	simm.s32 @!p0 $0x1  }
0x42: {  	_ =	swait.ge @!p0 [sflag:s0], s1  }
0x43: {  	s1 =	ssub.s32 @!p0 $0x0, s1;
	[sflag:s0] =	ssyncset.done @!p0 $0x0  }
0x44: {  	[sflag:s0] =	ssyncadd.s32 @!p0 s1  }
0x45: {  	[bflag:$0x3] =	sbarrier.arrive $0xFFFF  }
0x46: {  	_ =	shalt  }

// kernel: kernel.9.cloned.1.call-start
scs
__scs_entry_jumppad:
0x0: {  	(pc) =	sbr.rel $0x88, $3  }
0x1: {  	(tag) =	ssettag $0x0;
	lr =	simm.s32 $0x1  }
0x2: {  	[smem:$0x3F9B] =	sst lr;
	_ =	strace $0xD0000000  }
0x3: {  	_ = 	snop  }
0x4: {  	_ = 	snop  }
0x5: {  	_ = 	snop  }
0x6: {  	_ = 	snop  }
0x7: {  	_ = 	snop  }
__scs_overlays_trampoline_lowered:
0x8: {  	[smem:$0x3FAA] =	sst s0  }
0x9: {  	[smem:$0x3FAB] =	sst s1  }
0xa: {  	[smem:$0x3FAC] =	sst s2  }
0xb: {  	[smem:$0x3FAD] =	sst s3  }
0xc: {  	[smem:$0x3FAE] =	sst s4  }
0xd: {  	[smem:$0x3FAF] =	sst s5  }
0xe: {  	[smem:$0x3FB0] =	sst s6  }
0xf: {  	[smem:$0x3FB1] =	sst s7  }
0x10: {  	[smem:$0x3FB2] =	sst s8  }
0x11: {  	[smem:$0x3FB3] =	sst s9;
	s0 =	simm.s32 @!p0 $0x0  }
0x12: {  	s1 =	sld [smem:$0x3F99];
	s0 =	simm.s32 @p0 $0x1  }
0x13: {  	[smem:$0x3FB4] =	sst s0;
	s0 =	simm.s32 @!p1 $0x0  }
0x14: {  	s2 =	sld [smem:$0x3F98];
	s0 =	simm.s32 @p1 $0x1  }
0x15: {  	[smem:$0x3FB5] =	sst s0;
	s0 =	simm.s32 @!p2 $0x0  }
0x16: {  	s3 =	sld [smem:$0x3FDB];
	s0 =	simm.s32 @p2 $0x1  }
0x17: {  	s4 =	simm.s32 $0x1BF5;
	[smem:$0x3FB7] =	sst s0  }
0x18: {  	s0 =	sld [smem:$0x3F9A];
	_ =	swait.ge [sflag:s4], $0x0  }
0x19: {  	s7 =	sld [smem:$0x3F9B]  }
0x1a: {  	s8 =	sadd.s32 $0xFFFFE003, lr  }
0x1b: {  	s9 =	sadd.s32 $0xFFFFFEF7, lr;
	s5 =	simm.s32 $0xFFFFFFFF;
	p2 =	slt.u32 s8, $0xFFFFF086  }
0x1c: {  	p1 =	slt.u32 s9, $0xF7A;
	s5 =	simm.s32 @!p2 $0x0  }
0x1d: {  	s5 =	simm.s32 @p1 $0x1;
	p0 =	seq.s32 s7, s2  }
0x1e: {  	s7 =	smul.u32 @!p0 $0xF7A, s2;
	p2 =	seq.s32 @!p0 s5, $0x0  }
0x1f: {  	s9 =	smul.u32 $0xF7A, s1;
	s8 =	simm.s32 @!p0 $0x1BF5;
	p2 =	por !p2, p0  }
0x20: {  	[sflag:s8] =	ssyncset.s32 @!p0 $0xFFFFF086;
	s6 =	sadd.s32 @!p0 s3, s7;
	s7 =	simm.s32 @!p0 $0x108  }
0x21: {  	s3 =	sadd.s32 s3, s9;
	s6 =	sadd.s32 @!p0 $0x88, s6;
	s7 =	simm.s32 @p2 $0x1082  }
0x22: {  	[simem:s7], [sflag:s8] =	dma.local @!p0 [hbm:s6], $0xF7A  }
0x23: {  	s9 =	sor.u32 $0xD0000000, s2;
	s6 =	simm.s32 $0x108;
	_ =	swait.ge @!p0 [sflag:s8], $0x0  }
0x24: {  	s3 =	sadd.s32 $0x88, s3;
	s6 =	simm.s32 @!p1 $0x1082;
	[sflag:s4] =	ssyncset.s32 $0xFFFFF086  }
0x25: {  	[simem:s6], [sflag:s4] =	dma.local [hbm:s3], $0xF7A  }
0x26: {  	[smem:$0x3F9B] =	sst s1;
	(tag) =	ssettag s2;
	_ =	strace s9  }
0x27: {  	s1 =	sld [smem:$0x3FAB]  }
0x28: {  	s2 =	sld [smem:$0x3FAC]  }
0x29: {  	s4 =	sld [smem:$0x3FAE]  }
0x2a: {  	p0 =	seq.s32 s5, $0x0;
	s5 =	sld [smem:$0x3FAF]  }
0x2b: {  	s6 =	sld [smem:$0x3FB0]  }
0x2c: {  	s7 =	sld [smem:$0x3FB1]  }
0x2d: {  	s3 =	simm.s32 $0x108;
	s8 =	sld [smem:$0x3FB2]  }
0x2e: {  	s3 =	simm.s32 @!p0 $0x1082;
	s9 =	sld [smem:$0x3FB3]  }
0x2f: {  	lr =	sadd.s32 s0, s3;
	s0 =	sld [smem:$0x3FAA]  }
0x30: {  	s3 =	sld [smem:$0x3FAD]  }
0x31: {  	[smem:$0x3FB6] =	sst s10  }
0x32: {  	s10 =	sld [smem:$0x3FB4];
	_ =	sdelay $0x3  }
0x33: {  	p0 =	seq.s32 s10, $0x1;
	s10 =	sld [smem:$0x3FB6];
	_ =	sdelay $0x3  }
0x34: {  	[smem:$0x3FB6] =	sst s10  }
0x35: {  	s10 =	sld [smem:$0x3FB5];
	_ =	sdelay $0x3  }
0x36: {  	p1 =	seq.s32 s10, $0x1;
	s10 =	sld [smem:$0x3FB6];
	_ =	sdelay $0x3  }
0x37: {  	[smem:$0x3FB6] =	sst s10  }
0x38: {  	s10 =	sld [smem:$0x3FB7]  }
0x39: {  	_ = 	snop;
	(pc) =	sbr.ind lr, $3  }
0x3a: {  	_ = 	snop  }
0x3b: {  	_ = 	snop  }
0x3c: {  	p2 =	seq.s32 s10, $0x1;
	s10 =	sld [smem:$0x3FB6]  }
0x3d: {  	_ =	shalt  }
0x3e: {  	_ =	shalt  }
0x3f: {  	_ =	shalt  }
0x40: {  	_ =	shalt  }
0x41: {  	_ =	shalt  }
0x42: {  	_ =	shalt  }
0x43: {  	_ =	shalt  }
0x44: {  	_ =	shalt  }
0x45: {  	_ =	shalt  }
0x46: {  	_ =	shalt  }
0x47: {  	_ =	shalt  }
0x48: {  	_ =	shalt  }
0x49: {  	_ =	shalt  }
0x4a: {  	_ =	shalt  }
0x4b: {  	_ =	shalt  }
0x4c: {  	_ =	shalt  }
0x4d: {  	_ =	shalt  }
0x4e: {  	_ =	shalt  }
0x4f: {  	_ =	shalt  }
0x50: {  	_ =	shalt  }
0x51: {  	_ =	shalt  }
0x52: {  	_ =	shalt  }
0x53: {  	_ =	shalt  }
0x54: {  	_ =	shalt  }
0x55: {  	_ =	shalt  }
0x56: {  	_ =	shalt  }
0x57: {  	_ =	shalt  }
0x58: {  	_ =	shalt  }
0x59: {  	_ =	shalt  }
0x5a: {  	_ =	shalt  }
0x5b: {  	_ =	shalt  }
0x5c: {  	_ =	shalt  }
0x5d: {  	_ =	shalt  }
0x5e: {  	_ =	shalt  }
0x5f: {  	_ =	shalt  }
0x60: {  	_ =	shalt  }
0x61: {  	_ =	shalt  }
0x62: {  	_ =	shalt  }
0x63: {  	_ =	shalt  }
0x64: {  	_ =	shalt  }
0x65: {  	_ =	shalt  }
0x66: {  	_ =	shalt  }
0x67: {  	_ =	shalt  }
0x68: {  	_ =	shalt  }
0x69: {  	_ =	shalt  }
0x6a: {  	_ =	shalt  }
0x6b: {  	_ =	shalt  }
0x6c: {  	_ =	shalt  }
0x6d: {  	_ =	shalt  }
0x6e: {  	_ =	shalt  }
0x6f: {  	_ =	shalt  }
0x70: {  	_ =	shalt  }
0x71: {  	_ =	shalt  }
0x72: {  	_ =	shalt  }
0x73: {  	_ =	shalt  }
0x74: {  	_ =	shalt  }
0x75: {  	_ =	shalt  }
0x76: {  	_ =	shalt  }
0x77: {  	_ =	shalt  }
0x78: {  	_ =	shalt  }
0x79: {  	_ =	shalt  }
0x7a: {  	_ =	shalt  }
0x7b: {  	_ =	shalt  }
0x7c: {  	_ =	shalt  }
0x7d: {  	_ =	shalt  }
0x7e: {  	_ =	shalt  }
0x7f: {  	_ =	shalt  }
0x80: {  	_ =	shalt  }
0x81: {  	_ =	shalt  }
0x82: {  	_ =	shalt  }
0x83: {  	_ =	shalt  }
0x84: {  	_ =	shalt  }
0x85: {  	_ =	shalt  }
0x86: {  	_ =	shalt  }
0x87: {  	_ =	shalt  }
.Lfunc_end0:
.L_simem_size_0:
called_computation.1_lowered:
.L_overlay_start_0:
0x88: {  	s2 =	sld [smem:$0x3FD9]  }
0x89: {  	s3 =	sld [smem:$0x3FFE];
	_ =	sdelay $0x1  }
0x8a: {  	s1 =	srdreg.scid  }
0x8b: {  	s0 =	sand.u32 $0x1, s1  }
0x8c: {  	s17 =	sshll.u32 s0, $0xA;
	s2 =	sadd.s32 s3, s2  }
0x8d: {  	s2 =	sadd.s32 s2, s17  }
0x8e: {  	[smem:$0x3FC2] =	sst s2  }
0x8f: {  	_ = 	snop  }
0x90: {  	s2 =	sld [smem:$0x3FD0];
	(tm) =	ssettm $0x1  }
0x91: {  	s18 =	sld [smem:$0x3FFB];
	_ =	sdelay $0x3  }
0x92: {  	_ =	strace s18  }
0x93: {  	s3 =	sld [smem:$0x3FFC];
	_ =	sdelay $0x3  }
0x94: {  	_ =	strace s3  }
0x95: {  	s3 =	sld [smem:$0x3FFD];
	_ =	sdelay $0x3  }
0x96: {  	_ =	strace s3  }
0x97: {  	_ =	strace $0x8FFFFFFF  }
0x98: {  	s19 =	sld [smem:$0x3FDB];
	_ =	sdelay $0x1  }
0x99: {  	s4 =	simm.s32 $_scs_section_size  }
0x9a: {  	s5 =	simm.s32 $_size__tile_overlayer_lowered;
	s6 =	simm.s32 $_tile_overlayer_lowered  }
0x9b: {  	s22 =	simm.s32 $0x1BFF;
	s21 =	sshll.u32 s6, $0x1;
	s3 =	sadd.s32 s4, s19  }
0x9c: {  	s7 =	simm.s32 $0x0;
	s20 =	sshll.u32 s5, $0x1;
	s5 =	sadd.s32 s21, s3  }
0x9d: {  	[timem:s7], [sflag:s22] =	dma.local [hbm:s5], s20  }
0x9e: {  	_ =	swait.ge [sflag:s22], s20  }
0x9f: {  	s4 =	ssub.s32 $0x0, s20;
	[sflag:s22] =	ssyncset.done $0x0  }
0xa0: {  	[sflag:s22] =	ssyncadd.s32 s4;
	_ =	sdelay $0x1  }
0xa1: {  	s23 =	simm.s32 $0x1B8B  }
0xa2: {  	_ =	swait.ge [sflag:s23], $0x1  }
0xa3: {  	[sflag:s23] =	ssyncset.done $0x0  }
0xa4: {  	s25 =	simm.s32 $0x1B8E;
	s24 =	sld [smem:$0x3FFE];
	[sflag:s23] =	ssyncadd.s32 $0xFFFFFFFF  }
0xa5: {  	s26 =	simm.s32 $execute0_lowered;
	[smem:$0x3FD2] =	sst s25  }
0xa6: {  	s5 =	sshll.u32 s26, $0x1;
	_ =	strace $0x80000049;
	[dreg:$0x1] =	wrdreg $0xFFFFFFFF  }
0xa7: {  	s28 =	simm.s32 $_size_execute0_lowered;
	s3 =	sadd.s32 s3, s5;
	[dreg:$0x0] =	wrdreg $0x0  }
0xa8: {  	s5 =	sshll.u32 s28, $0x1;
	[dreg:$0x2] =	wrdreg s3  }
0xa9: {  	[dreg:$0x3] =	wrdreg s5  }
0xaa: {  	[dreg:$0x4] =	wrdreg $0xC0  }
0xab: {  	_ =	task [dreg:s7], $0x5FFFF  }
0xac: {  	[dreg:$0x1] =	wrdreg $0xFFFFFFFF  }
0xad: {  	[dreg:$0x0] =	wrdreg $0x60  }
0xae: {  	[dreg:$0x2] =	wrdreg s24  }
0xaf: {  	[dreg:$0x3] =	wrdreg s2  }
0xb0: {  	[dreg:$0x4] =	wrdreg $0x0  }
0xb1: {  	[dreg:$0x5] =	wrdreg $0x9  }
0xb2: {  	_ =	task.clear_ibuf [dreg:s7], $0x6FFFF;
	_ =	strace $0x90000049  }
0xb3: {  	s29 =	simm.s32 $0x9;
	_ =	strace $0x8000004B  }
0xb4: {  	_ =	swait.ge [sflag:s29], $0x1  }
0xb5: {  	[sflag:s29] =	ssyncadd.s32 $0xFFFFFFFF  }
0xb6: {  	_ =	strace $0x9000004B  }
0xb7: {  	_ =	sfence  }
0xb8: {  	s30 =	sld [smem:$0x0];
	_ =	sdelay $0x2  }
0xb9: {  	s31 =	sshll.u32 s1, $0xD;
	s1 =	sshrl.u32 s1, $0x2  }
0xba: {  	s3 =	sand.u32 $0x4000, s31;
	s1 =	sadd.s32 s1, s30  }
0xbb: {  	s0 =	sor.u32 s3, s0;
	s1 =	sshll.u32 s1, $0x11  }
0xbc: {  	s0 =	sor.u32 s1, s0  }
0xbd: {  	s0 =	sadd.s32 $0x8F2B, s0  }
0xbe: {  	[sflag:s0] =	ssyncadd.remote.s32 $0x1  }
0xbf: {  	_ =	sfence.sel $0xFFFF  }
0xc0: {  	[dreg:$0x0] =	wrdreg $0xFFFFFFFF;
	(pc) =	sbr.abs _section_cstart, $3  }
0xc1: {  	[dreg:$0x1] =	wrdreg $0xFFFFFFFF  }
0xc2: {  	_ =	task.clear_ibuf [dreg:s7], $0x2FFFF;
	_ =	strace $0x9FFFFFFF  }
0xc3: {  	(tm) =	ssettm $0x7FFFFFFF  }
tec
execute0_lowered:
.L_overlay_start_1:
0x0: {  	(tag) =	ssettag $0x1  }
0x1: {  	s6 =	rddreg [dreg:$0x0]  }
0x2: {  	s9 =	rddreg [dreg:$0x1]  }
0x3: {  	s1 =	rddreg [dreg:$0x2];
	s2 =	srdreg.scid  }
0x4: {  	s0 =	rddreg [dreg:$0x3];
	s7 =	sand.u32 $0x1, s2  }
0x5: {  	s3 =	simm.s32 $0x0;
	s2 =	stileid.u32;
	s8 =	smul.u32 $0x140000, s7  }
0x6: {  	s14 =	simm.s32 $0x14100;
	s15 =	simm.s32 $0x14080;
	s10 =	smul.u32 $0xA000, s2  }
0x7: {  	s16 =	simm.s32 $0x0;
	[smem:$0x7FF] =	sst s3;
	s11 =	smul.u32 $0x28000, s2  }
0x8: {  	s4 =	sadd.s32 $0x5DC00, s6;
	s28 =	ssub.s32 $0x2, s7;
	s7 =	smul.u32 $0x50000, s7  }
0x9: {  	s5 =	sadd.s32 $0x2000, s6;
	_ =	strace $0x8000004A;
	s13 =	smul.u32 $0x5000, s2  }
0xa: {  	s30 =	sshll.u32 s2, $0x6;
	s12 =	sshrl.u32 s28, $0x1;
	s8 =	sadd.s32 s10, s8  }
0xb: {  	s10 =	ssub.s32 s28, s12;
	s29 =	sshrl.u32 s11, $0x2;
	s31 =	sadd.s32 s13, s7  }
0xc: {  	s13 =	simm.s32 $0x80;
	s8 =	sshrl.u32 s8, $0x3;
	s11 =	sadd.s32 s29, s1  }
0xd: {  	s12 =	sshrl.u32 s31, $0x3;
	s8 =	sadd.s32 s8, s6;
	s6 =	sor.u32 $0x1C01, s30  }
0xe: {  	s9 =	sadd.s32 s12, s9;
	s12 =	simm.s32 $0x14000;
	s7 =	sadd.s32 $0x85C00, s8  }
0xf: {  	s8 =	smax.u32 s10, $0x1;
	s10 =	sshrl.u32 s11, $0x3;
	s11 =	simm.s32 $0x1  }
.LBB2_1:
0x10: {  	[spmem:s10], [sflag:s6] =	dma.local [hbm:s5], $0x1400  }
0x11: {  	_ =	swait.ge [sflag:s11], $0x1400  }
0x12: {  	[sflag:s11] =	ssyncset.done $0x0  }
0x13: {  	[sflag:s11] =	ssyncadd.s32 $0xFFFFEC00  }
0x14: {  	s17 =	sadd.s32 $0x0, s9;
	[bflag:$0x0] =	sbarrier.arrive $0xFFFF  }
0x15: {  	[tilespmem:s12], [sflag:$0x1] =	stream.linear.gather [hbm4b:s17+s3], $0x100, $0x38;
	[tilespmem:$0x18100] =	vst v63  }
0x16: {  	_ =	swait.ge [sflag:s11], $0x100  }
0x17: {  	[sflag:s11] =	ssyncset.done $0x0  }
0x18: {  	[sflag:s11] =	ssyncadd.s32 $0xFFFFFF00  }
0x19: {  	[tilespmem:s14], [sflag:$0x1] =	stream.indirect.gather [hbm4b:s4+s13], $0x80, s12, s13, $0xb8;
	[tilespmem:$0x18100] =	vst v63  }
0x1a: {  	_ =	swait.ge [sflag:s11], $0x4000  }
0x1b: {  	[sflag:s11] =	ssyncset.done $0x0  }
0x1c: {  	[sflag:s11] =	ssyncadd.s32 $0xFFFFC000  }
0x1d: {  	[spmem:s1] =	stream.indirect.scatter.add.f32 [tilespmem:s14], [sflag:$0x1], $0x80, s15, s13, $0xb8;
	[tilespmem:$0x18100] =	vst v63  }
0x1e: {  	_ =	swait.ge [sflag:s11], $0x4000  }
0x1f: {  	s18 =	simm.s32 $0x40;
	s17 =	simm.s32 $0x20;
	[sflag:s11] =	ssyncset.done $0x0  }
.LBB2_2:
0x20: {  	s19 =	sadd.s32 s17, s9  }
0x21: {  	[sflag:s11] =	ssyncadd.s32 $0xFFFFC000;
	s17 =	smov.u32 s18;
	s20 =	sadd.s32 $0x20, s18  }
0x22: {  	[tilespmem:s12], [sflag:$0x1] =	stream.linear.gather [hbm4b:s19+s3], $0x100, $0x38;
	[tilespmem:$0x18100] =	vst v63  }
0x23: {  	p0 =	sne.s32 s18, $0x9E0;
	_ =	swait.ge [sflag:s11], $0x100  }
0x24: {  	[sflag:s11] =	ssyncset.done $0x0  }
0x25: {  	[sflag:s11] =	ssyncadd.s32 $0xFFFFFF00  }
0x26: {  	[tilespmem:s14], [sflag:$0x1] =	stream.indirect.gather [hbm4b:s4+s13], $0x80, s12, s13, $0xb8;
	[tilespmem:$0x18100] =	vst v63  }
0x27: {  	_ =	swait.ge [sflag:s11], $0x4000  }
.Ltmp0:
0x28: {  	[sflag:s11] =	ssyncset.done $0x0;
	(pc) =	sbr.rel @p0 .LBB2_2-.Ltmp0, $4  }
0x29: {  	[sflag:s11] =	ssyncadd.s32 $0xFFFFC000  }
0x2a: {  	[spmem:s1] =	stream.indirect.scatter.add.f32 [tilespmem:s14], [sflag:$0x1], $0x80, s15, s13, $0xb8;
	[tilespmem:$0x18100] =	vst v63  }
0x2b: {  	_ =	swait.ge [sflag:s11], $0x4000  }
0x2c: {  	s18 =	smov.u32 s20;
	[sflag:s11] =	ssyncset.done $0x0  }
0x2d: {  	s17 =	sadd.s32 s17, s9;
	[sflag:s11] =	ssyncadd.s32 $0xFFFFC000  }
0x2e: {  	[tilespmem:s12], [sflag:$0x1] =	stream.linear.gather [hbm4b:s17+s3], $0x100, $0x38;
	[tilespmem:$0x18100] =	vst v63  }
0x2f: {  	_ =	swait.ge [sflag:s11], $0x100  }
0x30: {  	[sflag:s11] =	ssyncset.done $0x0  }
0x31: {  	[sflag:s11] =	ssyncadd.s32 $0xFFFFFF00  }
0x32: {  	[tilespmem:s14], [sflag:$0x1] =	stream.indirect.gather [hbm4b:s4+s13], $0x80, s12, s13, $0xb8;
	[tilespmem:$0x18100] =	vst v63  }
0x33: {  	_ =	swait.ge [sflag:s11], $0x4000  }
0x34: {  	[sflag:s11] =	ssyncset.done $0x0  }
0x35: {  	[sflag:s11] =	ssyncadd.s32 $0xFFFFC000  }
0x36: {  	[spmem:s1] =	stream.indirect.scatter.add.f32 [tilespmem:s14], [sflag:$0x1], $0x80, s15, s13, $0xb8;
	[tilespmem:$0x18100] =	vst v63  }
0x37: {  	_ =	swait.ge [sflag:s11], $0x4000  }
0x38: {  	s16 =	sadd.s32 $0x1, s16;
	[sflag:s11] =	ssyncset.done $0x0  }
0x39: {  	p0 =	sne.s32 s16, s8;
	[sflag:s11] =	ssyncadd.s32 $0xFFFFC000  }
.Ltmp1:
0x3a: {  	[bflag:$0x0] =	sbarrier.arrive $0xFFFF;
	(pc) =	sbr.rel @p0 .LBB2_1-.Ltmp1, $4  }
0x3b: {  	[hbm:s7], [sflag:s6] =	dma.local [spmem:s10], $0x1400  }
0x3c: {  	_ =	swait.ge [sflag:s11], $0x1400  }
0x3d: {  	[sflag:s11] =	ssyncset.done $0x0  }
0x3e: {  	[sflag:s11] =	ssyncadd.s32 $0xFFFFEC00  }
0x3f: {  	_ =	sfence.sel $0x180000  }
0x40: {  	[bflag:$0x0] =	sbarrier.arrive $0xFFFF  }
0x41: {  	p0 =	sne.s32 s2, $0x0;
	_ =	strace $0x9000004A  }
0x42: {  	s0 =	sadd.s32 @!p0 $0x100000, s0;
	[bflag:$0x2] =	sbarrier.arrive $0xFFFF  }
0x43: {  	[sflag:s0] =	ssyncadd.tile.s32 @!p0 $0x1;
	_ =	shalt  }
.Lfunc_end2:
_tile_overlayer_lowered:
.L_overlay_start_2:
0x44: {  	(tag) =	ssettag $0x2  }
0x45: {  	s0 =	rddreg [dreg:$0x0];
	s2 =	stileid.u32  }
0x46: {  	s1 =	rddreg [dreg:$0x1];
	p0 =	sne.s32 s2, $0x0  }
0x47: {  	s3 =	rddreg [dreg:$0x2];
	[bflag:$0x3] =	sbarrier.arrive $0xFFFF;
	s2 =	simm.s32 @!p0 $0x1C01  }
0x48: {  	[timem:s3], [sflag:s2] =	dma.local @!p0 [hbm:s0], s1  }
0x49: {  	s0 =	simm.s32 @!p0 $0x1  }
0x4a: {  	_ =	swait.ge @!p0 [sflag:s0], s1  }
0x4b: {  	s1 =	ssub.s32 @!p0 $0x0, s1;
	[sflag:s0] =	ssyncset.done @!p0 $0x0  }
0x4c: {  	[sflag:s0] =	ssyncadd.s32 @!p0 s1  }
0x4d: {  	[bflag:$0x3] =	sbarrier.arrive $0xFFFF  }
0x4e: {  	_ =	shalt  }

</sc_bundles>
